<compile_context>
chip_gen: v7x
topology: tpu7x:2x2x1
jax: 0.10.2.dev20260603
libtpu: 0.0.44.dev20260713+nightly
codegen_flags: <defaults>
</compile_context>

<pallas_src>
import functools

import jax
import jax.numpy as jnp
from jax import lax
from jax.experimental import pallas as pl
from jax.experimental.pallas import tpu as pltpu
from jax.experimental.pallas import tpu_sc as plsc

_B, _S, _H = 1024, 200, 128
_NC, _NS, _L = 1, 16, 16
_NW = _NC * _NS
_BPW = _B // _NW
_CHUNK = 16


def _gather_body(table_hbm, pos1_hbm, pos2_hbm, out1_hbm, out2_hbm,
                 idx_v, rows_v, sem_i, sem_g, sem_s):
    wid = lax.axis_index("s") * _NC + lax.axis_index("c")
    base = wid * _BPW

    ld1 = pltpu.async_copy(pos1_hbm.at[pl.ds(base, _BPW)],
                           idx_v.at[pl.ds(0, _BPW)], sem_i)
    ld2 = pltpu.async_copy(pos2_hbm.at[pl.ds(base, _BPW)],
                           idx_v.at[pl.ds(_BPW, _BPW)], sem_i)

    lanes = lax.iota(jnp.int32, _L) * _S
    nch = _BPW // _CHUNK
    gathers = []

    ld1.wait()
    for j in range(_BPW // _L):
        sl = pl.ds(j * _L, _L)
        idx_v[sl] = idx_v[sl] + ((base + j * _L) * _S + lanes)
    for c in range(nch):
        off = c * _CHUNK
        gathers.append(pltpu.async_copy(
            table_hbm.at[idx_v.at[pl.ds(off, _CHUNK)]],
            rows_v.at[pl.ds(off, _CHUNK)], sem_g))

    ld2.wait()
    for j in range(_BPW // _L):
        sl = pl.ds(_BPW + j * _L, _L)
        idx_v[sl] = idx_v[sl] + ((base + j * _L) * _S + lanes)
    for c in range(nch):
        off = _BPW + c * _CHUNK
        gathers.append(pltpu.async_copy(
            table_hbm.at[idx_v.at[pl.ds(off, _CHUNK)]],
            rows_v.at[pl.ds(off, _CHUNK)], sem_g))

    stores = []
    for k, g in enumerate(gathers):
        g.wait()
        out_hbm = out1_hbm if k < nch else out2_hbm
        off = (k % nch) * _CHUNK
        stores.append(pltpu.async_copy(
            rows_v.at[pl.ds(k * _CHUNK, _CHUNK)],
            out_hbm.at[pl.ds(base + off, _CHUNK)], sem_s))
    for st in stores:
        st.wait()


@functools.cache
def _entity_gather():
    return pl.kernel(
        _gather_body,
        mesh=plsc.VectorSubcoreMesh(core_axis_name="c", subcore_axis_name="s",
                                    num_cores=_NC, num_subcores=_NS),
        out_type=(
            jax.ShapeDtypeStruct((_B, _H), jnp.float32),
            jax.ShapeDtypeStruct((_B, _H), jnp.float32),
        ),
        scratch_types=[
            pltpu.VMEM((2 * _BPW,), jnp.int32),
            pltpu.VMEM((2 * _BPW, _H), jnp.float32),
            pltpu.SemaphoreType.DMA,
            pltpu.SemaphoreType.DMA,
            pltpu.SemaphoreType.DMA,
        ],
    )


def kernel(token_embs, pos1, pos2, mask):
    del mask
    table = token_embs.reshape(_B * _S, _H)
    p1 = pos1.reshape(_B).astype(jnp.int32)
    p2 = pos2.reshape(_B).astype(jnp.int32)
    hidden1, hidden2 = _entity_gather()(table, p1, p2)
    return (hidden1, hidden2)

# --- scband reference (transcript-rebuilt; emitter-appended) ---
"""Pipeline reference for scband-entity-marker-encoder-50087908606651 (READ-ONLY COPY).

The authoritative reference and input builder live on the scoring server;
editing this copy changes nothing except your own understanding.
"""

import jax, jax.numpy as jnp
import numpy as np


def setup_inputs(seed: int = 0) -> dict:
    key = jax.random.key(seed)
    k1, k2, k3 = jax.random.split(key, 3)
    B, S, H = 1024, 200, 128
    token_embs = jax.random.normal(k1, (B, S, H), dtype=jnp.float32)
    pos1 = jax.random.randint(k2, (B, 1), 0, S, dtype=jnp.int64) if jax.config.jax_enable_x64 else jax.random.randint(k2, (B, 1), 0, S).astype(jnp.int32)
    pos2 = jax.random.randint(k3, (B, 1), 0, S, dtype=jnp.int64) if jax.config.jax_enable_x64 else jax.random.randint(k3, (B, 1), 0, S).astype(jnp.int32)
    mask = jnp.ones((B, S), dtype=jnp.float32)
    return {"token_embs": token_embs, "pos1": pos1, "pos2": pos2, "mask": mask}


def _extract_entity(x, e):
    bsz = x.shape[0]
    # x[arange(bsz), e[:, 0]] -> per-row gather along sequence axis
    return x[jnp.arange(bsz), e[:, 0]]


def reference(token_embs, pos1, pos2, mask):
    hidden1 = _extract_entity(token_embs, pos1)
    hidden2 = _extract_entity(token_embs, pos2)
    return (hidden1, hidden2)

if __name__ == "__main__":
    import jax
    _d = setup_inputs()
    print(jax.jit(kernel)(*tuple(_d.values())))

</pallas_src>

<mosaic_0001>
#map = affine_map<(d0, d1) -> (0, 0)>
#map1 = affine_map<(d0, d1) -> (0)>
module attributes {stable_mosaic.version = 14 : i64} {
  func.func @_gather_body(%arg0: i32, %arg1: i32, %arg2: memref<204800x128xf32, #tpu.memory_space<hbm>>, %arg3: memref<1024xi32, #tpu.memory_space<hbm>>, %arg4: memref<1024xi32, #tpu.memory_space<hbm>>, %arg5: memref<1024x128xf32, #tpu.memory_space<hbm>>, %arg6: memref<1024x128xf32, #tpu.memory_space<hbm>>, %arg7: memref<128xi32, #tpu.memory_space<vmem>>, %arg8: memref<128x128xf32, #tpu.memory_space<vmem>>, %arg9: memref<!tpu.dma_semaphore, #tpu.memory_space<semaphore_mem>>, %arg10: memref<!tpu.dma_semaphore, #tpu.memory_space<semaphore_mem>>, %arg11: memref<!tpu.dma_semaphore, #tpu.memory_space<semaphore_mem>>) attributes {dimension_semantics = [#tpu.dimension_semantics<core_parallel>, #tpu.dimension_semantics<subcore_parallel>], iteration_bounds = array<i64: 1, 16>, scalar_prefetch = 0 : i64, scratch_operands = 5 : i64, tpu.core_type = #tpu.core_type<sc_vector_subcore>, window_params = [{transform_indices = #map}, {transform_indices = #map1}, {transform_indices = #map1}, {transform_indices = #map}, {transform_indices = #map}]} {
    %mul3A = arith.constant 1 : i32
    %mul3A_0 = arith.muli %arg1, %mul3A : i32
    %add3A = arith.addi %mul3A_0, %arg0 : i32
    %mul3A_1 = arith.constant 64 : i32
    %mul3A_2 = arith.muli %add3A, %mul3A_1 : i32
    %dma_start3A = arith.constant 0 : i32
    %dma_start3A_3 = tpu.memref_slice %arg7[%dma_start3A] : memref<128xi32, #tpu.memory_space<vmem>> -> memref<64xi32, #tpu.memory_space<vmem>>
    %dma_start3A_4 = tpu.memref_slice %arg3[%mul3A_2] : memref<1024xi32, #tpu.memory_space<hbm>> -> memref<64xi32, #tpu.memory_space<hbm>>
    %dma_start3A_5 = arith.constant 0 : i32
    %dma_start3A_6 = tpu.memref_slice %arg7[%dma_start3A_5] : memref<128xi32, #tpu.memory_space<vmem>> -> memref<64xi32, #tpu.memory_space<vmem>>
    %dma_start3A_7 = tpu.memref_slice %arg3[%mul3A_2] : memref<1024xi32, #tpu.memory_space<hbm>> -> memref<64xi32, #tpu.memory_space<hbm>>
    tpu.enqueue_dma source(%dma_start3A_7 : memref<64xi32, #tpu.memory_space<hbm>>) target(%dma_start3A_6 : memref<64xi32, #tpu.memory_space<vmem>>) target_semaphore(%arg9 : memref<!tpu.dma_semaphore, #tpu.memory_space<semaphore_mem>>)
    %dma_start3A_8 = arith.constant 64 : i32
    %dma_start3A_9 = tpu.memref_slice %arg7[%dma_start3A_8] : memref<128xi32, #tpu.memory_space<vmem>> -> memref<64xi32, #tpu.memory_space<vmem>>
    %dma_start3A_10 = tpu.memref_slice %arg4[%mul3A_2] : memref<1024xi32, #tpu.memory_space<hbm>> -> memref<64xi32, #tpu.memory_space<hbm>>
    %dma_start3A_11 = arith.constant 64 : i32
    %dma_start3A_12 = tpu.memref_slice %arg7[%dma_start3A_11] : memref<128xi32, #tpu.memory_space<vmem>> -> memref<64xi32, #tpu.memory_space<vmem>>
    %dma_start3A_13 = tpu.memref_slice %arg4[%mul3A_2] : memref<1024xi32, #tpu.memory_space<hbm>> -> memref<64xi32, #tpu.memory_space<hbm>>
    tpu.enqueue_dma source(%dma_start3A_13 : memref<64xi32, #tpu.memory_space<hbm>>) target(%dma_start3A_12 : memref<64xi32, #tpu.memory_space<vmem>>) target_semaphore(%arg9 : memref<!tpu.dma_semaphore, #tpu.memory_space<semaphore_mem>>)
    %iota3A = tpu.iota {dimensions = array<i32: 0>} : vector<16xi32>
    %mul3A_14 = arith.constant 200 : i32
    %mul3A_15 = vector.broadcast %mul3A_14 : i32 to vector<16xi32>
    %mul3A_16 = arith.muli %iota3A, %mul3A_15 : vector<16xi32>
    %dma_wait3A = arith.constant 0 : i32
    %dma_wait3A_17 = tpu.memref_slice %arg7[%dma_wait3A] : memref<128xi32, #tpu.memory_space<vmem>> -> memref<64xi32, #tpu.memory_space<vmem>>
    %dma_wait3A_18 = tpu.memref_slice %arg3[%mul3A_2] : memref<1024xi32, #tpu.memory_space<hbm>> -> memref<64xi32, #tpu.memory_space<hbm>>
    %dma_wait3A_19 = arith.constant 0 : i32
    %dma_wait3A_20 = tpu.memref_slice %arg7[%dma_wait3A_19] : memref<128xi32, #tpu.memory_space<vmem>> -> memref<64xi32, #tpu.memory_space<vmem>>
    %dma_wait3A_21 = tpu.memref_slice %arg3[%mul3A_2] : memref<1024xi32, #tpu.memory_space<hbm>> -> memref<64xi32, #tpu.memory_space<hbm>>
    tpu.wait_dma2 semaphore(%arg9 : memref<!tpu.dma_semaphore, #tpu.memory_space<semaphore_mem>>) src(%dma_wait3A_21 : memref<64xi32, #tpu.memory_space<hbm>>) dst(%dma_wait3A_20 : memref<64xi32, #tpu.memory_space<vmem>>)
    %get3A = arith.constant 0 : index
    %get3A_22 = tpu.vector_load %arg7[%get3A] {strides = array<i32>} : memref<128xi32, #tpu.memory_space<vmem>>, vector<16xi32>,
    %get3A_23 = vector.shape_cast %get3A_22 : vector<16xi32> to vector<16xi32>
    %add3A_24 = arith.constant 0 : i32
    %add3A_25 = arith.addi %mul3A_2, %add3A_24 : i32
    %mul3A_26 = arith.constant 200 : i32
    %mul3A_27 = arith.muli %add3A_25, %mul3A_26 : i32
    %add3A_28 = vector.broadcast %mul3A_27 : i32 to vector<16xi32>
    %add3A_29 = arith.addi %add3A_28, %mul3A_16 : vector<16xi32>
    %add3A_30 = arith.addi %get3A_23, %add3A_29 : vector<16xi32>
    %swap3A = arith.constant 0 : index
    %swap3A_31 = tpu.vector_load %arg7[%swap3A] {strides = array<i32>} : memref<128xi32, #tpu.memory_space<vmem>>, vector<16xi32>,
    %swap3A_32 = vector.shape_cast %swap3A_31 : vector<16xi32> to vector<16xi32>
    %swap3A_33 = vector.shape_cast %add3A_30 : vector<16xi32> to vector<16xi32>
    tpu.vector_store %arg7[%swap3A], %swap3A_33 {strides = array<i32>} : memref<128xi32, #tpu.memory_space<vmem>>, vector<16xi32>,
    %get3A_34 = arith.constant 16 : index
    %get3A_35 = tpu.vector_load %arg7[%get3A_34] {strides = array<i32>} : memref<128xi32, #tpu.memory_space<vmem>>, vector<16xi32>,
    %get3A_36 = vector.shape_cast %get3A_35 : vector<16xi32> to vector<16xi32>
    %add3A_37 = arith.constant 16 : i32
    %add3A_38 = arith.addi %mul3A_2, %add3A_37 : i32
    %mul3A_39 = arith.constant 200 : i32
    %mul3A_40 = arith.muli %add3A_38, %mul3A_39 : i32
    %add3A_41 = vector.broadcast %mul3A_40 : i32 to vector<16xi32>
    %add3A_42 = arith.addi %add3A_41, %mul3A_16 : vector<16xi32>
    %add3A_43 = arith.addi %get3A_36, %add3A_42 : vector<16xi32>
    %swap3A_44 = arith.constant 16 : index
    %swap3A_45 = tpu.vector_load %arg7[%swap3A_44] {strides = array<i32>} : memref<128xi32, #tpu.memory_space<vmem>>, vector<16xi32>,
    %swap3A_46 = vector.shape_cast %swap3A_45 : vector<16xi32> to vector<16xi32>
    %swap3A_47 = vector.shape_cast %add3A_43 : vector<16xi32> to vector<16xi32>
    tpu.vector_store %arg7[%swap3A_44], %swap3A_47 {strides = array<i32>} : memref<128xi32, #tpu.memory_space<vmem>>, vector<16xi32>,
    %get3A_48 = arith.constant 32 : index
    %get3A_49 = tpu.vector_load %arg7[%get3A_48] {strides = array<i32>} : memref<128xi32, #tpu.memory_space<vmem>>, vector<16xi32>,
    %get3A_50 = vector.shape_cast %get3A_49 : vector<16xi32> to vector<16xi32>
    %add3A_51 = arith.constant 32 : i32
    %add3A_52 = arith.addi %mul3A_2, %add3A_51 : i32
    %mul3A_53 = arith.constant 200 : i32
    %mul3A_54 = arith.muli %add3A_52, %mul3A_53 : i32
    %add3A_55 = vector.broadcast %mul3A_54 : i32 to vector<16xi32>
    %add3A_56 = arith.addi %add3A_55, %mul3A_16 : vector<16xi32>
    %add3A_57 = arith.addi %get3A_50, %add3A_56 : vector<16xi32>
    %swap3A_58 = arith.constant 32 : index
    %swap3A_59 = tpu.vector_load %arg7[%swap3A_58] {strides = array<i32>} : memref<128xi32, #tpu.memory_space<vmem>>, vector<16xi32>,
    %swap3A_60 = vector.shape_cast %swap3A_59 : vector<16xi32> to vector<16xi32>
    %swap3A_61 = vector.shape_cast %add3A_57 : vector<16xi32> to vector<16xi32>
    tpu.vector_store %arg7[%swap3A_58], %swap3A_61 {strides = array<i32>} : memref<128xi32, #tpu.memory_space<vmem>>, vector<16xi32>,
    %get3A_62 = arith.constant 48 : index
    %get3A_63 = tpu.vector_load %arg7[%get3A_62] {strides = array<i32>} : memref<128xi32, #tpu.memory_space<vmem>>, vector<16xi32>,
    %get3A_64 = vector.shape_cast %get3A_63 : vector<16xi32> to vector<16xi32>
    %add3A_65 = arith.constant 48 : i32
    %add3A_66 = arith.addi %mul3A_2, %add3A_65 : i32
    %mul3A_67 = arith.constant 200 : i32
    %mul3A_68 = arith.muli %add3A_66, %mul3A_67 : i32
    %add3A_69 = vector.broadcast %mul3A_68 : i32 to vector<16xi32>
    %add3A_70 = arith.addi %add3A_69, %mul3A_16 : vector<16xi32>
    %add3A_71 = arith.addi %get3A_64, %add3A_70 : vector<16xi32>
    %swap3A_72 = arith.constant 48 : index
    %swap3A_73 = tpu.vector_load %arg7[%swap3A_72] {strides = array<i32>} : memref<128xi32, #tpu.memory_space<vmem>>, vector<16xi32>,
    %swap3A_74 = vector.shape_cast %swap3A_73 : vector<16xi32> to vector<16xi32>
    %swap3A_75 = vector.shape_cast %add3A_71 : vector<16xi32> to vector<16xi32>
    tpu.vector_store %arg7[%swap3A_72], %swap3A_75 {strides = array<i32>} : memref<128xi32, #tpu.memory_space<vmem>>, vector<16xi32>,
    %dma_start3A_76 = arith.constant 0 : i32
    %dma_start3A_77 = arith.constant 0 : i32
    %dma_start3A_78 = tpu.memref_slice %arg8[%dma_start3A_76, %dma_start3A_77] : memref<128x128xf32, #tpu.memory_space<vmem>> -> memref<16x128xf32, #tpu.memory_space<vmem>>
    %dma_start3A_79 = arith.constant 0 : i32
    %dma_start3A_80 = tpu.memref_slice %arg7[%dma_start3A_79] : memref<128xi32, #tpu.memory_space<vmem>> -> memref<16xi32, #tpu.memory_space<vmem>>
    %dma_start3A_81 = arith.constant 0 : i32
    %dma_start3A_82 = arith.constant 0 : i32
    %dma_start3A_83 = tpu.memref_slice %arg2[%dma_start3A_81, %dma_start3A_82] : memref<204800x128xf32, #tpu.memory_space<hbm>> -> memref<204800x128xf32, #tpu.memory_space<hbm>>
    tpu.enqueue_indirect_dma source(%dma_start3A_83 : memref<204800x128xf32, #tpu.memory_space<hbm>>) target(%dma_start3A_78 : memref<16x128xf32, #tpu.memory_space<vmem>>) offsets(%dma_start3A_80 : memref<16xi32, #tpu.memory_space<vmem>>) semaphore(%arg10 : memref<!tpu.dma_semaphore, #tpu.memory_space<semaphore_mem>>)
    %dma_start3A_84 = arith.constant 16 : i32
    %dma_start3A_85 = arith.constant 0 : i32
    %dma_start3A_86 = tpu.memref_slice %arg8[%dma_start3A_84, %dma_start3A_85] : memref<128x128xf32, #tpu.memory_space<vmem>> -> memref<16x128xf32, #tpu.memory_space<vmem>>
    %dma_start3A_87 = arith.constant 16 : i32
    %dma_start3A_88 = tpu.memref_slice %arg7[%dma_start3A_87] : memref<128xi32, #tpu.memory_space<vmem>> -> memref<16xi32, #tpu.memory_space<vmem>>
    %dma_start3A_89 = arith.constant 0 : i32
    %dma_start3A_90 = arith.constant 0 : i32
    %dma_start3A_91 = tpu.memref_slice %arg2[%dma_start3A_89, %dma_start3A_90] : memref<204800x128xf32, #tpu.memory_space<hbm>> -> memref<204800x128xf32, #tpu.memory_space<hbm>>
    tpu.enqueue_indirect_dma source(%dma_start3A_91 : memref<204800x128xf32, #tpu.memory_space<hbm>>) target(%dma_start3A_86 : memref<16x128xf32, #tpu.memory_space<vmem>>) offsets(%dma_start3A_88 : memref<16xi32, #tpu.memory_space<vmem>>) semaphore(%arg10 : memref<!tpu.dma_semaphore, #tpu.memory_space<semaphore_mem>>)
    %dma_start3A_92 = arith.constant 32 : i32
    %dma_start3A_93 = arith.constant 0 : i32
    %dma_start3A_94 = tpu.memref_slice %arg8[%dma_start3A_92, %dma_start3A_93] : memref<128x128xf32, #tpu.memory_space<vmem>> -> memref<16x128xf32, #tpu.memory_space<vmem>>
    %dma_start3A_95 = arith.constant 32 : i32
    %dma_start3A_96 = tpu.memref_slice %arg7[%dma_start3A_95] : memref<128xi32, #tpu.memory_space<vmem>> -> memref<16xi32, #tpu.memory_space<vmem>>
    %dma_start3A_97 = arith.constant 0 : i32
    %dma_start3A_98 = arith.constant 0 : i32
    %dma_start3A_99 = tpu.memref_slice %arg2[%dma_start3A_97, %dma_start3A_98] : memref<204800x128xf32, #tpu.memory_space<hbm>> -> memref<204800x128xf32, #tpu.memory_space<hbm>>
    tpu.enqueue_indirect_dma source(%dma_start3A_99 : memref<204800x128xf32, #tpu.memory_space<hbm>>) target(%dma_start3A_94 : memref<16x128xf32, #tpu.memory_space<vmem>>) offsets(%dma_start3A_96 : memref<16xi32, #tpu.memory_space<vmem>>) semaphore(%arg10 : memref<!tpu.dma_semaphore, #tpu.memory_space<semaphore_mem>>)
    %dma_start3A_100 = arith.constant 48 : i32
    %dma_start3A_101 = arith.constant 0 : i32
    %dma_start3A_102 = tpu.memref_slice %arg8[%dma_start3A_100, %dma_start3A_101] : memref<128x128xf32, #tpu.memory_space<vmem>> -> memref<16x128xf32, #tpu.memory_space<vmem>>
    %dma_start3A_103 = arith.constant 48 : i32
    %dma_start3A_104 = tpu.memref_slice %arg7[%dma_start3A_103] : memref<128xi32, #tpu.memory_space<vmem>> -> memref<16xi32, #tpu.memory_space<vmem>>
    %dma_start3A_105 = arith.constant 0 : i32
    %dma_start3A_106 = arith.constant 0 : i32
    %dma_start3A_107 = tpu.memref_slice %arg2[%dma_start3A_105, %dma_start3A_106] : memref<204800x128xf32, #tpu.memory_space<hbm>> -> memref<204800x128xf32, #tpu.memory_space<hbm>>
    tpu.enqueue_indirect_dma source(%dma_start3A_107 : memref<204800x128xf32, #tpu.memory_space<hbm>>) target(%dma_start3A_102 : memref<16x128xf32, #tpu.memory_space<vmem>>) offsets(%dma_start3A_104 : memref<16xi32, #tpu.memory_space<vmem>>) semaphore(%arg10 : memref<!tpu.dma_semaphore, #tpu.memory_space<semaphore_mem>>)
    %dma_wait3A_108 = arith.constant 64 : i32
    %dma_wait3A_109 = tpu.memref_slice %arg7[%dma_wait3A_108] : memref<128xi32, #tpu.memory_space<vmem>> -> memref<64xi32, #tpu.memory_space<vmem>>
    %dma_wait3A_110 = tpu.memref_slice %arg4[%mul3A_2] : memref<1024xi32, #tpu.memory_space<hbm>> -> memref<64xi32, #tpu.memory_space<hbm>>
    %dma_wait3A_111 = arith.constant 64 : i32
    %dma_wait3A_112 = tpu.memref_slice %arg7[%dma_wait3A_111] : memref<128xi32, #tpu.memory_space<vmem>> -> memref<64xi32, #tpu.memory_space<vmem>>
    %dma_wait3A_113 = tpu.memref_slice %arg4[%mul3A_2] : memref<1024xi32, #tpu.memory_space<hbm>> -> memref<64xi32, #tpu.memory_space<hbm>>
    tpu.wait_dma2 semaphore(%arg9 : memref<!tpu.dma_semaphore, #tpu.memory_space<semaphore_mem>>) src(%dma_wait3A_113 : memref<64xi32, #tpu.memory_space<hbm>>) dst(%dma_wait3A_112 : memref<64xi32, #tpu.memory_space<vmem>>)
    %get3A_114 = arith.constant 64 : index
    %get3A_115 = tpu.vector_load %arg7[%get3A_114] {strides = array<i32>} : memref<128xi32, #tpu.memory_space<vmem>>, vector<16xi32>,
    %get3A_116 = vector.shape_cast %get3A_115 : vector<16xi32> to vector<16xi32>
    %add3A_117 = arith.constant 0 : i32
    %add3A_118 = arith.addi %mul3A_2, %add3A_117 : i32
    %mul3A_119 = arith.constant 200 : i32
    %mul3A_120 = arith.muli %add3A_118, %mul3A_119 : i32
    %add3A_121 = vector.broadcast %mul3A_120 : i32 to vector<16xi32>
    %add3A_122 = arith.addi %add3A_121, %mul3A_16 : vector<16xi32>
    %add3A_123 = arith.addi %get3A_116, %add3A_122 : vector<16xi32>
    %swap3A_124 = arith.constant 64 : index
    %swap3A_125 = tpu.vector_load %arg7[%swap3A_124] {strides = array<i32>} : memref<128xi32, #tpu.memory_space<vmem>>, vector<16xi32>,
    %swap3A_126 = vector.shape_cast %swap3A_125 : vector<16xi32> to vector<16xi32>
    %swap3A_127 = vector.shape_cast %add3A_123 : vector<16xi32> to vector<16xi32>
    tpu.vector_store %arg7[%swap3A_124], %swap3A_127 {strides = array<i32>} : memref<128xi32, #tpu.memory_space<vmem>>, vector<16xi32>,
    %get3A_128 = arith.constant 80 : index
    %get3A_129 = tpu.vector_load %arg7[%get3A_128] {strides = array<i32>} : memref<128xi32, #tpu.memory_space<vmem>>, vector<16xi32>,
    %get3A_130 = vector.shape_cast %get3A_129 : vector<16xi32> to vector<16xi32>
    %add3A_131 = arith.constant 16 : i32
    %add3A_132 = arith.addi %mul3A_2, %add3A_131 : i32
    %mul3A_133 = arith.constant 200 : i32
    %mul3A_134 = arith.muli %add3A_132, %mul3A_133 : i32
    %add3A_135 = vector.broadcast %mul3A_134 : i32 to vector<16xi32>
    %add3A_136 = arith.addi %add3A_135, %mul3A_16 : vector<16xi32>
    %add3A_137 = arith.addi %get3A_130, %add3A_136 : vector<16xi32>
    %swap3A_138 = arith.constant 80 : index
    %swap3A_139 = tpu.vector_load %arg7[%swap3A_138] {strides = array<i32>} : memref<128xi32, #tpu.memory_space<vmem>>, vector<16xi32>,
    %swap3A_140 = vector.shape_cast %swap3A_139 : vector<16xi32> to vector<16xi32>
    %swap3A_141 = vector.shape_cast %add3A_137 : vector<16xi32> to vector<16xi32>
    tpu.vector_store %arg7[%swap3A_138], %swap3A_141 {strides = array<i32>} : memref<128xi32, #tpu.memory_space<vmem>>, vector<16xi32>,
    %get3A_142 = arith.constant 96 : index
    %get3A_143 = tpu.vector_load %arg7[%get3A_142] {strides = array<i32>} : memref<128xi32, #tpu.memory_space<vmem>>, vector<16xi32>,
    %get3A_144 = vector.shape_cast %get3A_143 : vector<16xi32> to vector<16xi32>
    %add3A_145 = arith.constant 32 : i32
    %add3A_146 = arith.addi %mul3A_2, %add3A_145 : i32
    %mul3A_147 = arith.constant 200 : i32
    %mul3A_148 = arith.muli %add3A_146, %mul3A_147 : i32
    %add3A_149 = vector.broadcast %mul3A_148 : i32 to vector<16xi32>
    %add3A_150 = arith.addi %add3A_149, %mul3A_16 : vector<16xi32>
    %add3A_151 = arith.addi %get3A_144, %add3A_150 : vector<16xi32>
    %swap3A_152 = arith.constant 96 : index
    %swap3A_153 = tpu.vector_load %arg7[%swap3A_152] {strides = array<i32>} : memref<128xi32, #tpu.memory_space<vmem>>, vector<16xi32>,
    %swap3A_154 = vector.shape_cast %swap3A_153 : vector<16xi32> to vector<16xi32>
    %swap3A_155 = vector.shape_cast %add3A_151 : vector<16xi32> to vector<16xi32>
    tpu.vector_store %arg7[%swap3A_152], %swap3A_155 {strides = array<i32>} : memref<128xi32, #tpu.memory_space<vmem>>, vector<16xi32>,
    %get3A_156 = arith.constant 112 : index
    %get3A_157 = tpu.vector_load %arg7[%get3A_156] {strides = array<i32>} : memref<128xi32, #tpu.memory_space<vmem>>, vector<16xi32>,
    %get3A_158 = vector.shape_cast %get3A_157 : vector<16xi32> to vector<16xi32>
    %add3A_159 = arith.constant 48 : i32
    %add3A_160 = arith.addi %mul3A_2, %add3A_159 : i32
    %mul3A_161 = arith.constant 200 : i32
    %mul3A_162 = arith.muli %add3A_160, %mul3A_161 : i32
    %add3A_163 = vector.broadcast %mul3A_162 : i32 to vector<16xi32>
    %add3A_164 = arith.addi %add3A_163, %mul3A_16 : vector<16xi32>
    %add3A_165 = arith.addi %get3A_158, %add3A_164 : vector<16xi32>
    %swap3A_166 = arith.constant 112 : index
    %swap3A_167 = tpu.vector_load %arg7[%swap3A_166] {strides = array<i32>} : memref<128xi32, #tpu.memory_space<vmem>>, vector<16xi32>,
    %swap3A_168 = vector.shape_cast %swap3A_167 : vector<16xi32> to vector<16xi32>
    %swap3A_169 = vector.shape_cast %add3A_165 : vector<16xi32> to vector<16xi32>
    tpu.vector_store %arg7[%swap3A_166], %swap3A_169 {strides = array<i32>} : memref<128xi32, #tpu.memory_space<vmem>>, vector<16xi32>,
    %dma_start3A_170 = arith.constant 64 : i32
    %dma_start3A_171 = arith.constant 0 : i32
    %dma_start3A_172 = tpu.memref_slice %arg8[%dma_start3A_170, %dma_start3A_171] : memref<128x128xf32, #tpu.memory_space<vmem>> -> memref<16x128xf32, #tpu.memory_space<vmem>>
    %dma_start3A_173 = arith.constant 64 : i32
    %dma_start3A_174 = tpu.memref_slice %arg7[%dma_start3A_173] : memref<128xi32, #tpu.memory_space<vmem>> -> memref<16xi32, #tpu.memory_space<vmem>>
    %dma_start3A_175 = arith.constant 0 : i32
    %dma_start3A_176 = arith.constant 0 : i32
    %dma_start3A_177 = tpu.memref_slice %arg2[%dma_start3A_175, %dma_start3A_176] : memref<204800x128xf32, #tpu.memory_space<hbm>> -> memref<204800x128xf32, #tpu.memory_space<hbm>>
    tpu.enqueue_indirect_dma source(%dma_start3A_177 : memref<204800x128xf32, #tpu.memory_space<hbm>>) target(%dma_start3A_172 : memref<16x128xf32, #tpu.memory_space<vmem>>) offsets(%dma_start3A_174 : memref<16xi32, #tpu.memory_space<vmem>>) semaphore(%arg10 : memref<!tpu.dma_semaphore, #tpu.memory_space<semaphore_mem>>)
    %dma_start3A_178 = arith.constant 80 : i32
    %dma_start3A_179 = arith.constant 0 : i32
    %dma_start3A_180 = tpu.memref_slice %arg8[%dma_start3A_178, %dma_start3A_179] : memref<128x128xf32, #tpu.memory_space<vmem>> -> memref<16x128xf32, #tpu.memory_space<vmem>>
    %dma_start3A_181 = arith.constant 80 : i32
    %dma_start3A_182 = tpu.memref_slice %arg7[%dma_start3A_181] : memref<128xi32, #tpu.memory_space<vmem>> -> memref<16xi32, #tpu.memory_space<vmem>>
    %dma_start3A_183 = arith.constant 0 : i32
    %dma_start3A_184 = arith.constant 0 : i32
    %dma_start3A_185 = tpu.memref_slice %arg2[%dma_start3A_183, %dma_start3A_184] : memref<204800x128xf32, #tpu.memory_space<hbm>> -> memref<204800x128xf32, #tpu.memory_space<hbm>>
    tpu.enqueue_indirect_dma source(%dma_start3A_185 : memref<204800x128xf32, #tpu.memory_space<hbm>>) target(%dma_start3A_180 : memref<16x128xf32, #tpu.memory_space<vmem>>) offsets(%dma_start3A_182 : memref<16xi32, #tpu.memory_space<vmem>>) semaphore(%arg10 : memref<!tpu.dma_semaphore, #tpu.memory_space<semaphore_mem>>)
    %dma_start3A_186 = arith.constant 96 : i32
    %dma_start3A_187 = arith.constant 0 : i32
    %dma_start3A_188 = tpu.memref_slice %arg8[%dma_start3A_186, %dma_start3A_187] : memref<128x128xf32, #tpu.memory_space<vmem>> -> memref<16x128xf32, #tpu.memory_space<vmem>>
    %dma_start3A_189 = arith.constant 96 : i32
    %dma_start3A_190 = tpu.memref_slice %arg7[%dma_start3A_189] : memref<128xi32, #tpu.memory_space<vmem>> -> memref<16xi32, #tpu.memory_space<vmem>>
    %dma_start3A_191 = arith.constant 0 : i32
    %dma_start3A_192 = arith.constant 0 : i32
    %dma_start3A_193 = tpu.memref_slice %arg2[%dma_start3A_191, %dma_start3A_192] : memref<204800x128xf32, #tpu.memory_space<hbm>> -> memref<204800x128xf32, #tpu.memory_space<hbm>>
    tpu.enqueue_indirect_dma source(%dma_start3A_193 : memref<204800x128xf32, #tpu.memory_space<hbm>>) target(%dma_start3A_188 : memref<16x128xf32, #tpu.memory_space<vmem>>) offsets(%dma_start3A_190 : memref<16xi32, #tpu.memory_space<vmem>>) semaphore(%arg10 : memref<!tpu.dma_semaphore, #tpu.memory_space<semaphore_mem>>)
    %dma_start3A_194 = arith.constant 112 : i32
    %dma_start3A_195 = arith.constant 0 : i32
    %dma_start3A_196 = tpu.memref_slice %arg8[%dma_start3A_194, %dma_start3A_195] : memref<128x128xf32, #tpu.memory_space<vmem>> -> memref<16x128xf32, #tpu.memory_space<vmem>>
    %dma_start3A_197 = arith.constant 112 : i32
    %dma_start3A_198 = tpu.memref_slice %arg7[%dma_start3A_197] : memref<128xi32, #tpu.memory_space<vmem>> -> memref<16xi32, #tpu.memory_space<vmem>>
    %dma_start3A_199 = arith.constant 0 : i32
    %dma_start3A_200 = arith.constant 0 : i32
    %dma_start3A_201 = tpu.memref_slice %arg2[%dma_start3A_199, %dma_start3A_200] : memref<204800x128xf32, #tpu.memory_space<hbm>> -> memref<204800x128xf32, #tpu.memory_space<hbm>>
    tpu.enqueue_indirect_dma source(%dma_start3A_201 : memref<204800x128xf32, #tpu.memory_space<hbm>>) target(%dma_start3A_196 : memref<16x128xf32, #tpu.memory_space<vmem>>) offsets(%dma_start3A_198 : memref<16xi32, #tpu.memory_space<vmem>>) semaphore(%arg10 : memref<!tpu.dma_semaphore, #tpu.memory_space<semaphore_mem>>)
    %dma_wait3A_202 = arith.constant 0 : i32
    %dma_wait3A_203 = arith.constant 0 : i32
    %dma_wait3A_204 = tpu.memref_slice %arg8[%dma_wait3A_202, %dma_wait3A_203] : memref<128x128xf32, #tpu.memory_space<vmem>> -> memref<16x128xf32, #tpu.memory_space<vmem>>
    %dma_wait3A_205 = arith.constant 0 : i32
    %dma_wait3A_206 = tpu.memref_slice %arg7[%dma_wait3A_205] : memref<128xi32, #tpu.memory_space<vmem>> -> memref<16xi32, #tpu.memory_space<vmem>>
    %dma_wait3A_207 = arith.constant 0 : i32
    %dma_wait3A_208 = arith.constant 0 : i32
    %dma_wait3A_209 = tpu.memref_slice %arg2[%dma_wait3A_207, %dma_wait3A_208] : memref<204800x128xf32, #tpu.memory_space<hbm>> -> memref<204800x128xf32, #tpu.memory_space<hbm>>
    tpu.wait_indirect_dma semaphore(%arg10 : memref<!tpu.dma_semaphore, #tpu.memory_space<semaphore_mem>>) src(%dma_wait3A_209 : memref<204800x128xf32, #tpu.memory_space<hbm>>) dst(%dma_wait3A_204 : memref<16x128xf32, #tpu.memory_space<vmem>>)
    %add3A_210 = arith.constant 0 : i32
    %add3A_211 = arith.addi %mul3A_2, %add3A_210 : i32
    %dma_start3A_212 = arith.constant 0 : i32
    %dma_start3A_213 = arith.constant 0 : i32
    %dma_start3A_214 = tpu.memref_slice %arg8[%dma_start3A_212, %dma_start3A_213] : memref<128x128xf32, #tpu.memory_space<vmem>> -> memref<16x128xf32, #tpu.memory_space<vmem>>
    %dma_start3A_215 = arith.constant 0 : i32
    %dma_start3A_216 = tpu.memref_slice %arg5[%add3A_211, %dma_start3A_215] : memref<1024x128xf32, #tpu.memory_space<hbm>> -> memref<16x128xf32, #tpu.memory_space<hbm>>
    %dma_start3A_217 = arith.constant 0 : i32
    %dma_start3A_218 = tpu.memref_slice %arg5[%add3A_211, %dma_start3A_217] : memref<1024x128xf32, #tpu.memory_space<hbm>> -> memref<16x128xf32, #tpu.memory_space<hbm>>
    %dma_start3A_219 = arith.constant 0 : i32
    %dma_start3A_220 = arith.constant 0 : i32
    %dma_start3A_221 = tpu.memref_slice %arg8[%dma_start3A_219, %dma_start3A_220] : memref<128x128xf32, #tpu.memory_space<vmem>> -> memref<16x128xf32, #tpu.memory_space<vmem>>
    tpu.enqueue_dma source(%dma_start3A_221 : memref<16x128xf32, #tpu.memory_space<vmem>>) target(%dma_start3A_218 : memref<16x128xf32, #tpu.memory_space<hbm>>) target_semaphore(%arg11 : memref<!tpu.dma_semaphore, #tpu.memory_space<semaphore_mem>>)
    %dma_wait3A_222 = arith.constant 16 : i32
    %dma_wait3A_223 = arith.constant 0 : i32
    %dma_wait3A_224 = tpu.memref_slice %arg8[%dma_wait3A_222, %dma_wait3A_223] : memref<128x128xf32, #tpu.memory_space<vmem>> -> memref<16x128xf32, #tpu.memory_space<vmem>>
    %dma_wait3A_225 = arith.constant 16 : i32
    %dma_wait3A_226 = tpu.memref_slice %arg7[%dma_wait3A_225] : memref<128xi32, #tpu.memory_space<vmem>> -> memref<16xi32, #tpu.memory_space<vmem>>
    %dma_wait3A_227 = arith.constant 0 : i32
    %dma_wait3A_228 = arith.constant 0 : i32
    %dma_wait3A_229 = tpu.memref_slice %arg2[%dma_wait3A_227, %dma_wait3A_228] : memref<204800x128xf32, #tpu.memory_space<hbm>> -> memref<204800x128xf32, #tpu.memory_space<hbm>>
    tpu.wait_indirect_dma semaphore(%arg10 : memref<!tpu.dma_semaphore, #tpu.memory_space<semaphore_mem>>) src(%dma_wait3A_229 : memref<204800x128xf32, #tpu.memory_space<hbm>>) dst(%dma_wait3A_224 : memref<16x128xf32, #tpu.memory_space<vmem>>)
    %add3A_230 = arith.constant 16 : i32
    %add3A_231 = arith.addi %mul3A_2, %add3A_230 : i32
    %dma_start3A_232 = arith.constant 16 : i32
    %dma_start3A_233 = arith.constant 0 : i32
    %dma_start3A_234 = tpu.memref_slice %arg8[%dma_start3A_232, %dma_start3A_233] : memref<128x128xf32, #tpu.memory_space<vmem>> -> memref<16x128xf32, #tpu.memory_space<vmem>>
    %dma_start3A_235 = arith.constant 0 : i32
    %dma_start3A_236 = tpu.memref_slice %arg5[%add3A_231, %dma_start3A_235] : memref<1024x128xf32, #tpu.memory_space<hbm>> -> memref<16x128xf32, #tpu.memory_space<hbm>>
    %dma_start3A_237 = arith.constant 0 : i32
    %dma_start3A_238 = tpu.memref_slice %arg5[%add3A_231, %dma_start3A_237] : memref<1024x128xf32, #tpu.memory_space<hbm>> -> memref<16x128xf32, #tpu.memory_space<hbm>>
    %dma_start3A_239 = arith.constant 16 : i32
    %dma_start3A_240 = arith.constant 0 : i32
    %dma_start3A_241 = tpu.memref_slice %arg8[%dma_start3A_239, %dma_start3A_240] : memref<128x128xf32, #tpu.memory_space<vmem>> -> memref<16x128xf32, #tpu.memory_space<vmem>>
    tpu.enqueue_dma source(%dma_start3A_241 : memref<16x128xf32, #tpu.memory_space<vmem>>) target(%dma_start3A_238 : memref<16x128xf32, #tpu.memory_space<hbm>>) target_semaphore(%arg11 : memref<!tpu.dma_semaphore, #tpu.memory_space<semaphore_mem>>)
    %dma_wait3A_242 = arith.constant 32 : i32
    %dma_wait3A_243 = arith.constant 0 : i32
    %dma_wait3A_244 = tpu.memref_slice %arg8[%dma_wait3A_242, %dma_wait3A_243] : memref<128x128xf32, #tpu.memory_space<vmem>> -> memref<16x128xf32, #tpu.memory_space<vmem>>
    %dma_wait3A_245 = arith.constant 32 : i32
    %dma_wait3A_246 = tpu.memref_slice %arg7[%dma_wait3A_245] : memref<128xi32, #tpu.memory_space<vmem>> -> memref<16xi32, #tpu.memory_space<vmem>>
    %dma_wait3A_247 = arith.constant 0 : i32
    %dma_wait3A_248 = arith.constant 0 : i32
    %dma_wait3A_249 = tpu.memref_slice %arg2[%dma_wait3A_247, %dma_wait3A_248] : memref<204800x128xf32, #tpu.memory_space<hbm>> -> memref<204800x128xf32, #tpu.memory_space<hbm>>
    tpu.wait_indirect_dma semaphore(%arg10 : memref<!tpu.dma_semaphore, #tpu.memory_space<semaphore_mem>>) src(%dma_wait3A_249 : memref<204800x128xf32, #tpu.memory_space<hbm>>) dst(%dma_wait3A_244 : memref<16x128xf32, #tpu.memory_space<vmem>>)
    %add3A_250 = arith.constant 32 : i32
    %add3A_251 = arith.addi %mul3A_2, %add3A_250 : i32
    %dma_start3A_252 = arith.constant 32 : i32
    %dma_start3A_253 = arith.constant 0 : i32
    %dma_start3A_254 = tpu.memref_slice %arg8[%dma_start3A_252, %dma_start3A_253] : memref<128x128xf32, #tpu.memory_space<vmem>> -> memref<16x128xf32, #tpu.memory_space<vmem>>
    %dma_start3A_255 = arith.constant 0 : i32
    %dma_start3A_256 = tpu.memref_slice %arg5[%add3A_251, %dma_start3A_255] : memref<1024x128xf32, #tpu.memory_space<hbm>> -> memref<16x128xf32, #tpu.memory_space<hbm>>
    %dma_start3A_257 = arith.constant 0 : i32
    %dma_start3A_258 = tpu.memref_slice %arg5[%add3A_251, %dma_start3A_257] : memref<1024x128xf32, #tpu.memory_space<hbm>> -> memref<16x128xf32, #tpu.memory_space<hbm>>
    %dma_start3A_259 = arith.constant 32 : i32
    %dma_start3A_260 = arith.constant 0 : i32
    %dma_start3A_261 = tpu.memref_slice %arg8[%dma_start3A_259, %dma_start3A_260] : memref<128x128xf32, #tpu.memory_space<vmem>> -> memref<16x128xf32, #tpu.memory_space<vmem>>
    tpu.enqueue_dma source(%dma_start3A_261 : memref<16x128xf32, #tpu.memory_space<vmem>>) target(%dma_start3A_258 : memref<16x128xf32, #tpu.memory_space<hbm>>) target_semaphore(%arg11 : memref<!tpu.dma_semaphore, #tpu.memory_space<semaphore_mem>>)
    %dma_wait3A_262 = arith.constant 48 : i32
    %dma_wait3A_263 = arith.constant 0 : i32
    %dma_wait3A_264 = tpu.memref_slice %arg8[%dma_wait3A_262, %dma_wait3A_263] : memref<128x128xf32, #tpu.memory_space<vmem>> -> memref<16x128xf32, #tpu.memory_space<vmem>>
    %dma_wait3A_265 = arith.constant 48 : i32
    %dma_wait3A_266 = tpu.memref_slice %arg7[%dma_wait3A_265] : memref<128xi32, #tpu.memory_space<vmem>> -> memref<16xi32, #tpu.memory_space<vmem>>
    %dma_wait3A_267 = arith.constant 0 : i32
    %dma_wait3A_268 = arith.constant 0 : i32
    %dma_wait3A_269 = tpu.memref_slice %arg2[%dma_wait3A_267, %dma_wait3A_268] : memref<204800x128xf32, #tpu.memory_space<hbm>> -> memref<204800x128xf32, #tpu.memory_space<hbm>>
    tpu.wait_indirect_dma semaphore(%arg10 : memref<!tpu.dma_semaphore, #tpu.memory_space<semaphore_mem>>) src(%dma_wait3A_269 : memref<204800x128xf32, #tpu.memory_space<hbm>>) dst(%dma_wait3A_264 : memref<16x128xf32, #tpu.memory_space<vmem>>)
    %add3A_270 = arith.constant 48 : i32
    %add3A_271 = arith.addi %mul3A_2, %add3A_270 : i32
    %dma_start3A_272 = arith.constant 48 : i32
    %dma_start3A_273 = arith.constant 0 : i32
    %dma_start3A_274 = tpu.memref_slice %arg8[%dma_start3A_272, %dma_start3A_273] : memref<128x128xf32, #tpu.memory_space<vmem>> -> memref<16x128xf32, #tpu.memory_space<vmem>>
    %dma_start3A_275 = arith.constant 0 : i32
    %dma_start3A_276 = tpu.memref_slice %arg5[%add3A_271, %dma_start3A_275] : memref<1024x128xf32, #tpu.memory_space<hbm>> -> memref<16x128xf32, #tpu.memory_space<hbm>>
    %dma_start3A_277 = arith.constant 0 : i32
    %dma_start3A_278 = tpu.memref_slice %arg5[%add3A_271, %dma_start3A_277] : memref<1024x128xf32, #tpu.memory_space<hbm>> -> memref<16x128xf32, #tpu.memory_space<hbm>>
    %dma_start3A_279 = arith.constant 48 : i32
    %dma_start3A_280 = arith.constant 0 : i32
    %dma_start3A_281 = tpu.memref_slice %arg8[%dma_start3A_279, %dma_start3A_280] : memref<128x128xf32, #tpu.memory_space<vmem>> -> memref<16x128xf32, #tpu.memory_space<vmem>>
    tpu.enqueue_dma source(%dma_start3A_281 : memref<16x128xf32, #tpu.memory_space<vmem>>) target(%dma_start3A_278 : memref<16x128xf32, #tpu.memory_space<hbm>>) target_semaphore(%arg11 : memref<!tpu.dma_semaphore, #tpu.memory_space<semaphore_mem>>)
    %dma_wait3A_282 = arith.constant 64 : i32
    %dma_wait3A_283 = arith.constant 0 : i32
    %dma_wait3A_284 = tpu.memref_slice %arg8[%dma_wait3A_282, %dma_wait3A_283] : memref<128x128xf32, #tpu.memory_space<vmem>> -> memref<16x128xf32, #tpu.memory_space<vmem>>
    %dma_wait3A_285 = arith.constant 64 : i32
    %dma_wait3A_286 = tpu.memref_slice %arg7[%dma_wait3A_285] : memref<128xi32, #tpu.memory_space<vmem>> -> memref<16xi32, #tpu.memory_space<vmem>>
    %dma_wait3A_287 = arith.constant 0 : i32
    %dma_wait3A_288 = arith.constant 0 : i32
    %dma_wait3A_289 = tpu.memref_slice %arg2[%dma_wait3A_287, %dma_wait3A_288] : memref<204800x128xf32, #tpu.memory_space<hbm>> -> memref<204800x128xf32, #tpu.memory_space<hbm>>
    tpu.wait_indirect_dma semaphore(%arg10 : memref<!tpu.dma_semaphore, #tpu.memory_space<semaphore_mem>>) src(%dma_wait3A_289 : memref<204800x128xf32, #tpu.memory_space<hbm>>) dst(%dma_wait3A_284 : memref<16x128xf32, #tpu.memory_space<vmem>>)
    %add3A_290 = arith.constant 0 : i32
    %add3A_291 = arith.addi %mul3A_2, %add3A_290 : i32
    %dma_start3A_292 = arith.constant 64 : i32
    %dma_start3A_293 = arith.constant 0 : i32
    %dma_start3A_294 = tpu.memref_slice %arg8[%dma_start3A_292, %dma_start3A_293] : memref<128x128xf32, #tpu.memory_space<vmem>> -> memref<16x128xf32, #tpu.memory_space<vmem>>
    %dma_start3A_295 = arith.constant 0 : i32
    %dma_start3A_296 = tpu.memref_slice %arg6[%add3A_291, %dma_start3A_295] : memref<1024x128xf32, #tpu.memory_space<hbm>> -> memref<16x128xf32, #tpu.memory_space<hbm>>
    %dma_start3A_297 = arith.constant 0 : i32
    %dma_start3A_298 = tpu.memref_slice %arg6[%add3A_291, %dma_start3A_297] : memref<1024x128xf32, #tpu.memory_space<hbm>> -> memref<16x128xf32, #tpu.memory_space<hbm>>
    %dma_start3A_299 = arith.constant 64 : i32
    %dma_start3A_300 = arith.constant 0 : i32
    %dma_start3A_301 = tpu.memref_slice %arg8[%dma_start3A_299, %dma_start3A_300] : memref<128x128xf32, #tpu.memory_space<vmem>> -> memref<16x128xf32, #tpu.memory_space<vmem>>
    tpu.enqueue_dma source(%dma_start3A_301 : memref<16x128xf32, #tpu.memory_space<vmem>>) target(%dma_start3A_298 : memref<16x128xf32, #tpu.memory_space<hbm>>) target_semaphore(%arg11 : memref<!tpu.dma_semaphore, #tpu.memory_space<semaphore_mem>>)
    %dma_wait3A_302 = arith.constant 80 : i32
    %dma_wait3A_303 = arith.constant 0 : i32
    %dma_wait3A_304 = tpu.memref_slice %arg8[%dma_wait3A_302, %dma_wait3A_303] : memref<128x128xf32, #tpu.memory_space<vmem>> -> memref<16x128xf32, #tpu.memory_space<vmem>>
    %dma_wait3A_305 = arith.constant 80 : i32
    %dma_wait3A_306 = tpu.memref_slice %arg7[%dma_wait3A_305] : memref<128xi32, #tpu.memory_space<vmem>> -> memref<16xi32, #tpu.memory_space<vmem>>
    %dma_wait3A_307 = arith.constant 0 : i32
    %dma_wait3A_308 = arith.constant 0 : i32
    %dma_wait3A_309 = tpu.memref_slice %arg2[%dma_wait3A_307, %dma_wait3A_308] : memref<204800x128xf32, #tpu.memory_space<hbm>> -> memref<204800x128xf32, #tpu.memory_space<hbm>>
    tpu.wait_indirect_dma semaphore(%arg10 : memref<!tpu.dma_semaphore, #tpu.memory_space<semaphore_mem>>) src(%dma_wait3A_309 : memref<204800x128xf32, #tpu.memory_space<hbm>>) dst(%dma_wait3A_304 : memref<16x128xf32, #tpu.memory_space<vmem>>)
    %add3A_310 = arith.constant 16 : i32
    %add3A_311 = arith.addi %mul3A_2, %add3A_310 : i32
    %dma_start3A_312 = arith.constant 80 : i32
    %dma_start3A_313 = arith.constant 0 : i32
    %dma_start3A_314 = tpu.memref_slice %arg8[%dma_start3A_312, %dma_start3A_313] : memref<128x128xf32, #tpu.memory_space<vmem>> -> memref<16x128xf32, #tpu.memory_space<vmem>>
    %dma_start3A_315 = arith.constant 0 : i32
    %dma_start3A_316 = tpu.memref_slice %arg6[%add3A_311, %dma_start3A_315] : memref<1024x128xf32, #tpu.memory_space<hbm>> -> memref<16x128xf32, #tpu.memory_space<hbm>>
    %dma_start3A_317 = arith.constant 0 : i32
    %dma_start3A_318 = tpu.memref_slice %arg6[%add3A_311, %dma_start3A_317] : memref<1024x128xf32, #tpu.memory_space<hbm>> -> memref<16x128xf32, #tpu.memory_space<hbm>>
    %dma_start3A_319 = arith.constant 80 : i32
    %dma_start3A_320 = arith.constant 0 : i32
    %dma_start3A_321 = tpu.memref_slice %arg8[%dma_start3A_319, %dma_start3A_320] : memref<128x128xf32, #tpu.memory_space<vmem>> -> memref<16x128xf32, #tpu.memory_space<vmem>>
    tpu.enqueue_dma source(%dma_start3A_321 : memref<16x128xf32, #tpu.memory_space<vmem>>) target(%dma_start3A_318 : memref<16x128xf32, #tpu.memory_space<hbm>>) target_semaphore(%arg11 : memref<!tpu.dma_semaphore, #tpu.memory_space<semaphore_mem>>)
    %dma_wait3A_322 = arith.constant 96 : i32
    %dma_wait3A_323 = arith.constant 0 : i32
    %dma_wait3A_324 = tpu.memref_slice %arg8[%dma_wait3A_322, %dma_wait3A_323] : memref<128x128xf32, #tpu.memory_space<vmem>> -> memref<16x128xf32, #tpu.memory_space<vmem>>
    %dma_wait3A_325 = arith.constant 96 : i32
    %dma_wait3A_326 = tpu.memref_slice %arg7[%dma_wait3A_325] : memref<128xi32, #tpu.memory_space<vmem>> -> memref<16xi32, #tpu.memory_space<vmem>>
    %dma_wait3A_327 = arith.constant 0 : i32
    %dma_wait3A_328 = arith.constant 0 : i32
    %dma_wait3A_329 = tpu.memref_slice %arg2[%dma_wait3A_327, %dma_wait3A_328] : memref<204800x128xf32, #tpu.memory_space<hbm>> -> memref<204800x128xf32, #tpu.memory_space<hbm>>
    tpu.wait_indirect_dma semaphore(%arg10 : memref<!tpu.dma_semaphore, #tpu.memory_space<semaphore_mem>>) src(%dma_wait3A_329 : memref<204800x128xf32, #tpu.memory_space<hbm>>) dst(%dma_wait3A_324 : memref<16x128xf32, #tpu.memory_space<vmem>>)
    %add3A_330 = arith.constant 32 : i32
    %add3A_331 = arith.addi %mul3A_2, %add3A_330 : i32
    %dma_start3A_332 = arith.constant 96 : i32
    %dma_start3A_333 = arith.constant 0 : i32
    %dma_start3A_334 = tpu.memref_slice %arg8[%dma_start3A_332, %dma_start3A_333] : memref<128x128xf32, #tpu.memory_space<vmem>> -> memref<16x128xf32, #tpu.memory_space<vmem>>
    %dma_start3A_335 = arith.constant 0 : i32
    %dma_start3A_336 = tpu.memref_slice %arg6[%add3A_331, %dma_start3A_335] : memref<1024x128xf32, #tpu.memory_space<hbm>> -> memref<16x128xf32, #tpu.memory_space<hbm>>
    %dma_start3A_337 = arith.constant 0 : i32
    %dma_start3A_338 = tpu.memref_slice %arg6[%add3A_331, %dma_start3A_337] : memref<1024x128xf32, #tpu.memory_space<hbm>> -> memref<16x128xf32, #tpu.memory_space<hbm>>
    %dma_start3A_339 = arith.constant 96 : i32
    %dma_start3A_340 = arith.constant 0 : i32
    %dma_start3A_341 = tpu.memref_slice %arg8[%dma_start3A_339, %dma_start3A_340] : memref<128x128xf32, #tpu.memory_space<vmem>> -> memref<16x128xf32, #tpu.memory_space<vmem>>
    tpu.enqueue_dma source(%dma_start3A_341 : memref<16x128xf32, #tpu.memory_space<vmem>>) target(%dma_start3A_338 : memref<16x128xf32, #tpu.memory_space<hbm>>) target_semaphore(%arg11 : memref<!tpu.dma_semaphore, #tpu.memory_space<semaphore_mem>>)
    %dma_wait3A_342 = arith.constant 112 : i32
    %dma_wait3A_343 = arith.constant 0 : i32
    %dma_wait3A_344 = tpu.memref_slice %arg8[%dma_wait3A_342, %dma_wait3A_343] : memref<128x128xf32, #tpu.memory_space<vmem>> -> memref<16x128xf32, #tpu.memory_space<vmem>>
    %dma_wait3A_345 = arith.constant 112 : i32
    %dma_wait3A_346 = tpu.memref_slice %arg7[%dma_wait3A_345] : memref<128xi32, #tpu.memory_space<vmem>> -> memref<16xi32, #tpu.memory_space<vmem>>
    %dma_wait3A_347 = arith.constant 0 : i32
    %dma_wait3A_348 = arith.constant 0 : i32
    %dma_wait3A_349 = tpu.memref_slice %arg2[%dma_wait3A_347, %dma_wait3A_348] : memref<204800x128xf32, #tpu.memory_space<hbm>> -> memref<204800x128xf32, #tpu.memory_space<hbm>>
    tpu.wait_indirect_dma semaphore(%arg10 : memref<!tpu.dma_semaphore, #tpu.memory_space<semaphore_mem>>) src(%dma_wait3A_349 : memref<204800x128xf32, #tpu.memory_space<hbm>>) dst(%dma_wait3A_344 : memref<16x128xf32, #tpu.memory_space<vmem>>)
    %add3A_350 = arith.constant 48 : i32
    %add3A_351 = arith.addi %mul3A_2, %add3A_350 : i32
    %dma_start3A_352 = arith.constant 112 : i32
    %dma_start3A_353 = arith.constant 0 : i32
    %dma_start3A_354 = tpu.memref_slice %arg8[%dma_start3A_352, %dma_start3A_353] : memref<128x128xf32, #tpu.memory_space<vmem>> -> memref<16x128xf32, #tpu.memory_space<vmem>>
    %dma_start3A_355 = arith.constant 0 : i32
    %dma_start3A_356 = tpu.memref_slice %arg6[%add3A_351, %dma_start3A_355] : memref<1024x128xf32, #tpu.memory_space<hbm>> -> memref<16x128xf32, #tpu.memory_space<hbm>>
    %dma_start3A_357 = arith.constant 0 : i32
    %dma_start3A_358 = tpu.memref_slice %arg6[%add3A_351, %dma_start3A_357] : memref<1024x128xf32, #tpu.memory_space<hbm>> -> memref<16x128xf32, #tpu.memory_space<hbm>>
    %dma_start3A_359 = arith.constant 112 : i32
    %dma_start3A_360 = arith.constant 0 : i32
    %dma_start3A_361 = tpu.memref_slice %arg8[%dma_start3A_359, %dma_start3A_360] : memref<128x128xf32, #tpu.memory_space<vmem>> -> memref<16x128xf32, #tpu.memory_space<vmem>>
    tpu.enqueue_dma source(%dma_start3A_361 : memref<16x128xf32, #tpu.memory_space<vmem>>) target(%dma_start3A_358 : memref<16x128xf32, #tpu.memory_space<hbm>>) target_semaphore(%arg11 : memref<!tpu.dma_semaphore, #tpu.memory_space<semaphore_mem>>)
    %dma_wait3A_362 = arith.constant 0 : i32
    %dma_wait3A_363 = arith.constant 0 : i32
    %dma_wait3A_364 = tpu.memref_slice %arg8[%dma_wait3A_362, %dma_wait3A_363] : memref<128x128xf32, #tpu.memory_space<vmem>> -> memref<16x128xf32, #tpu.memory_space<vmem>>
    %dma_wait3A_365 = arith.constant 0 : i32
    %dma_wait3A_366 = tpu.memref_slice %arg5[%add3A_211, %dma_wait3A_365] : memref<1024x128xf32, #tpu.memory_space<hbm>> -> memref<16x128xf32, #tpu.memory_space<hbm>>
    %dma_wait3A_367 = arith.constant 0 : i32
    %dma_wait3A_368 = tpu.memref_slice %arg5[%add3A_211, %dma_wait3A_367] : memref<1024x128xf32, #tpu.memory_space<hbm>> -> memref<16x128xf32, #tpu.memory_space<hbm>>
    %dma_wait3A_369 = arith.constant 0 : i32
    %dma_wait3A_370 = arith.constant 0 : i32
    %dma_wait3A_371 = tpu.memref_slice %arg8[%dma_wait3A_369, %dma_wait3A_370] : memref<128x128xf32, #tpu.memory_space<vmem>> -> memref<16x128xf32, #tpu.memory_space<vmem>>
    tpu.wait_dma2 semaphore(%arg11 : memref<!tpu.dma_semaphore, #tpu.memory_space<semaphore_mem>>) src(%dma_wait3A_371 : memref<16x128xf32, #tpu.memory_space<vmem>>) dst(%dma_wait3A_368 : memref<16x128xf32, #tpu.memory_space<hbm>>)
    %dma_wait3A_372 = arith.constant 16 : i32
    %dma_wait3A_373 = arith.constant 0 : i32
    %dma_wait3A_374 = tpu.memref_slice %arg8[%dma_wait3A_372, %dma_wait3A_373] : memref<128x128xf32, #tpu.memory_space<vmem>> -> memref<16x128xf32, #tpu.memory_space<vmem>>
    %dma_wait3A_375 = arith.constant 0 : i32
    %dma_wait3A_376 = tpu.memref_slice %arg5[%add3A_231, %dma_wait3A_375] : memref<1024x128xf32, #tpu.memory_space<hbm>> -> memref<16x128xf32, #tpu.memory_space<hbm>>
    %dma_wait3A_377 = arith.constant 0 : i32
    %dma_wait3A_378 = tpu.memref_slice %arg5[%add3A_231, %dma_wait3A_377] : memref<1024x128xf32, #tpu.memory_space<hbm>> -> memref<16x128xf32, #tpu.memory_space<hbm>>
    %dma_wait3A_379 = arith.constant 16 : i32
    %dma_wait3A_380 = arith.constant 0 : i32
    %dma_wait3A_381 = tpu.memref_slice %arg8[%dma_wait3A_379, %dma_wait3A_380] : memref<128x128xf32, #tpu.memory_space<vmem>> -> memref<16x128xf32, #tpu.memory_space<vmem>>
    tpu.wait_dma2 semaphore(%arg11 : memref<!tpu.dma_semaphore, #tpu.memory_space<semaphore_mem>>) src(%dma_wait3A_381 : memref<16x128xf32, #tpu.memory_space<vmem>>) dst(%dma_wait3A_378 : memref<16x128xf32, #tpu.memory_space<hbm>>)
    %dma_wait3A_382 = arith.constant 32 : i32
    %dma_wait3A_383 = arith.constant 0 : i32
    %dma_wait3A_384 = tpu.memref_slice %arg8[%dma_wait3A_382, %dma_wait3A_383] : memref<128x128xf32, #tpu.memory_space<vmem>> -> memref<16x128xf32, #tpu.memory_space<vmem>>
    %dma_wait3A_385 = arith.constant 0 : i32
    %dma_wait3A_386 = tpu.memref_slice %arg5[%add3A_251, %dma_wait3A_385] : memref<1024x128xf32, #tpu.memory_space<hbm>> -> memref<16x128xf32, #tpu.memory_space<hbm>>
    %dma_wait3A_387 = arith.constant 0 : i32
    %dma_wait3A_388 = tpu.memref_slice %arg5[%add3A_251, %dma_wait3A_387] : memref<1024x128xf32, #tpu.memory_space<hbm>> -> memref<16x128xf32, #tpu.memory_space<hbm>>
    %dma_wait3A_389 = arith.constant 32 : i32
    %dma_wait3A_390 = arith.constant 0 : i32
    %dma_wait3A_391 = tpu.memref_slice %arg8[%dma_wait3A_389, %dma_wait3A_390] : memref<128x128xf32, #tpu.memory_space<vmem>> -> memref<16x128xf32, #tpu.memory_space<vmem>>
    tpu.wait_dma2 semaphore(%arg11 : memref<!tpu.dma_semaphore, #tpu.memory_space<semaphore_mem>>) src(%dma_wait3A_391 : memref<16x128xf32, #tpu.memory_space<vmem>>) dst(%dma_wait3A_388 : memref<16x128xf32, #tpu.memory_space<hbm>>)
    %dma_wait3A_392 = arith.constant 48 : i32
    %dma_wait3A_393 = arith.constant 0 : i32
    %dma_wait3A_394 = tpu.memref_slice %arg8[%dma_wait3A_392, %dma_wait3A_393] : memref<128x128xf32, #tpu.memory_space<vmem>> -> memref<16x128xf32, #tpu.memory_space<vmem>>
    %dma_wait3A_395 = arith.constant 0 : i32
    %dma_wait3A_396 = tpu.memref_slice %arg5[%add3A_271, %dma_wait3A_395] : memref<1024x128xf32, #tpu.memory_space<hbm>> -> memref<16x128xf32, #tpu.memory_space<hbm>>
    %dma_wait3A_397 = arith.constant 0 : i32
    %dma_wait3A_398 = tpu.memref_slice %arg5[%add3A_271, %dma_wait3A_397] : memref<1024x128xf32, #tpu.memory_space<hbm>> -> memref<16x128xf32, #tpu.memory_space<hbm>>
    %dma_wait3A_399 = arith.constant 48 : i32
    %dma_wait3A_400 = arith.constant 0 : i32
    %dma_wait3A_401 = tpu.memref_slice %arg8[%dma_wait3A_399, %dma_wait3A_400] : memref<128x128xf32, #tpu.memory_space<vmem>> -> memref<16x128xf32, #tpu.memory_space<vmem>>
    tpu.wait_dma2 semaphore(%arg11 : memref<!tpu.dma_semaphore, #tpu.memory_space<semaphore_mem>>) src(%dma_wait3A_401 : memref<16x128xf32, #tpu.memory_space<vmem>>) dst(%dma_wait3A_398 : memref<16x128xf32, #tpu.memory_space<hbm>>)
    %dma_wait3A_402 = arith.constant 64 : i32
    %dma_wait3A_403 = arith.constant 0 : i32
    %dma_wait3A_404 = tpu.memref_slice %arg8[%dma_wait3A_402, %dma_wait3A_403] : memref<128x128xf32, #tpu.memory_space<vmem>> -> memref<16x128xf32, #tpu.memory_space<vmem>>
    %dma_wait3A_405 = arith.constant 0 : i32
    %dma_wait3A_406 = tpu.memref_slice %arg6[%add3A_291, %dma_wait3A_405] : memref<1024x128xf32, #tpu.memory_space<hbm>> -> memref<16x128xf32, #tpu.memory_space<hbm>>
    %dma_wait3A_407 = arith.constant 0 : i32
    %dma_wait3A_408 = tpu.memref_slice %arg6[%add3A_291, %dma_wait3A_407] : memref<1024x128xf32, #tpu.memory_space<hbm>> -> memref<16x128xf32, #tpu.memory_space<hbm>>
    %dma_wait3A_409 = arith.constant 64 : i32
    %dma_wait3A_410 = arith.constant 0 : i32
    %dma_wait3A_411 = tpu.memref_slice %arg8[%dma_wait3A_409, %dma_wait3A_410] : memref<128x128xf32, #tpu.memory_space<vmem>> -> memref<16x128xf32, #tpu.memory_space<vmem>>
    tpu.wait_dma2 semaphore(%arg11 : memref<!tpu.dma_semaphore, #tpu.memory_space<semaphore_mem>>) src(%dma_wait3A_411 : memref<16x128xf32, #tpu.memory_space<vmem>>) dst(%dma_wait3A_408 : memref<16x128xf32, #tpu.memory_space<hbm>>)
    %dma_wait3A_412 = arith.constant 80 : i32
    %dma_wait3A_413 = arith.constant 0 : i32
    %dma_wait3A_414 = tpu.memref_slice %arg8[%dma_wait3A_412, %dma_wait3A_413] : memref<128x128xf32, #tpu.memory_space<vmem>> -> memref<16x128xf32, #tpu.memory_space<vmem>>
    %dma_wait3A_415 = arith.constant 0 : i32
    %dma_wait3A_416 = tpu.memref_slice %arg6[%add3A_311, %dma_wait3A_415] : memref<1024x128xf32, #tpu.memory_space<hbm>> -> memref<16x128xf32, #tpu.memory_space<hbm>>
    %dma_wait3A_417 = arith.constant 0 : i32
    %dma_wait3A_418 = tpu.memref_slice %arg6[%add3A_311, %dma_wait3A_417] : memref<1024x128xf32, #tpu.memory_space<hbm>> -> memref<16x128xf32, #tpu.memory_space<hbm>>
    %dma_wait3A_419 = arith.constant 80 : i32
    %dma_wait3A_420 = arith.constant 0 : i32
    %dma_wait3A_421 = tpu.memref_slice %arg8[%dma_wait3A_419, %dma_wait3A_420] : memref<128x128xf32, #tpu.memory_space<vmem>> -> memref<16x128xf32, #tpu.memory_space<vmem>>
    tpu.wait_dma2 semaphore(%arg11 : memref<!tpu.dma_semaphore, #tpu.memory_space<semaphore_mem>>) src(%dma_wait3A_421 : memref<16x128xf32, #tpu.memory_space<vmem>>) dst(%dma_wait3A_418 : memref<16x128xf32, #tpu.memory_space<hbm>>)
    %dma_wait3A_422 = arith.constant 96 : i32
    %dma_wait3A_423 = arith.constant 0 : i32
    %dma_wait3A_424 = tpu.memref_slice %arg8[%dma_wait3A_422, %dma_wait3A_423] : memref<128x128xf32, #tpu.memory_space<vmem>> -> memref<16x128xf32, #tpu.memory_space<vmem>>
    %dma_wait3A_425 = arith.constant 0 : i32
    %dma_wait3A_426 = tpu.memref_slice %arg6[%add3A_331, %dma_wait3A_425] : memref<1024x128xf32, #tpu.memory_space<hbm>> -> memref<16x128xf32, #tpu.memory_space<hbm>>
    %dma_wait3A_427 = arith.constant 0 : i32
    %dma_wait3A_428 = tpu.memref_slice %arg6[%add3A_331, %dma_wait3A_427] : memref<1024x128xf32, #tpu.memory_space<hbm>> -> memref<16x128xf32, #tpu.memory_space<hbm>>
    %dma_wait3A_429 = arith.constant 96 : i32
    %dma_wait3A_430 = arith.constant 0 : i32
    %dma_wait3A_431 = tpu.memref_slice %arg8[%dma_wait3A_429, %dma_wait3A_430] : memref<128x128xf32, #tpu.memory_space<vmem>> -> memref<16x128xf32, #tpu.memory_space<vmem>>
    tpu.wait_dma2 semaphore(%arg11 : memref<!tpu.dma_semaphore, #tpu.memory_space<semaphore_mem>>) src(%dma_wait3A_431 : memref<16x128xf32, #tpu.memory_space<vmem>>) dst(%dma_wait3A_428 : memref<16x128xf32, #tpu.memory_space<hbm>>)
    %dma_wait3A_432 = arith.constant 112 : i32
    %dma_wait3A_433 = arith.constant 0 : i32
    %dma_wait3A_434 = tpu.memref_slice %arg8[%dma_wait3A_432, %dma_wait3A_433] : memref<128x128xf32, #tpu.memory_space<vmem>> -> memref<16x128xf32, #tpu.memory_space<vmem>>
    %dma_wait3A_435 = arith.constant 0 : i32
    %dma_wait3A_436 = tpu.memref_slice %arg6[%add3A_351, %dma_wait3A_435] : memref<1024x128xf32, #tpu.memory_space<hbm>> -> memref<16x128xf32, #tpu.memory_space<hbm>>
    %dma_wait3A_437 = arith.constant 0 : i32
    %dma_wait3A_438 = tpu.memref_slice %arg6[%add3A_351, %dma_wait3A_437] : memref<1024x128xf32, #tpu.memory_space<hbm>> -> memref<16x128xf32, #tpu.memory_space<hbm>>
    %dma_wait3A_439 = arith.constant 112 : i32
    %dma_wait3A_440 = arith.constant 0 : i32
    %dma_wait3A_441 = tpu.memref_slice %arg8[%dma_wait3A_439, %dma_wait3A_440] : memref<128x128xf32, #tpu.memory_space<vmem>> -> memref<16x128xf32, #tpu.memory_space<vmem>>
    tpu.wait_dma2 semaphore(%arg11 : memref<!tpu.dma_semaphore, #tpu.memory_space<semaphore_mem>>) src(%dma_wait3A_441 : memref<16x128xf32, #tpu.memory_space<vmem>>) dst(%dma_wait3A_438 : memref<16x128xf32, #tpu.memory_space<hbm>>)
    return
  }
}

</mosaic_0001>

<sc_bundles>
// kernel: kernel.3.cloned.1.call-start
scs
__scs_entry_jumppad:
0x0: {  	(pc) =	sbr.rel $0x88, $3  }
0x1: {  	(tag) =	ssettag $0x0;
	lr =	simm.s32 $0x1  }
0x2: {  	[smem:$0x3F9E] =	sst lr;
	_ =	strace $0xD0000000  }
0x3: {  	_ = 	snop  }
0x4: {  	_ = 	snop  }
0x5: {  	_ = 	snop  }
0x6: {  	_ = 	snop  }
0x7: {  	_ = 	snop  }
__scs_overlays_trampoline_lowered:
0x8: {  	[smem:$0x3FAD] =	sst s0  }
0x9: {  	[smem:$0x3FAE] =	sst s1  }
0xa: {  	[smem:$0x3FAF] =	sst s2  }
0xb: {  	[smem:$0x3FB0] =	sst s3  }
0xc: {  	[smem:$0x3FB1] =	sst s4  }
0xd: {  	[smem:$0x3FB2] =	sst s5  }
0xe: {  	[smem:$0x3FB3] =	sst s6  }
0xf: {  	[smem:$0x3FB4] =	sst s7  }
0x10: {  	[smem:$0x3FB5] =	sst s8  }
0x11: {  	[smem:$0x3FB6] =	sst s9;
	s0 =	simm.s32 @!p0 $0x0  }
0x12: {  	s1 =	sld [smem:$0x3F9C];
	s0 =	simm.s32 @p0 $0x1  }
0x13: {  	[smem:$0x3FB7] =	sst s0;
	s0 =	simm.s32 @!p1 $0x0  }
0x14: {  	s2 =	sld [smem:$0x3F9B];
	s0 =	simm.s32 @p1 $0x1  }
0x15: {  	[smem:$0x3FB8] =	sst s0;
	s0 =	simm.s32 @!p2 $0x0  }
0x16: {  	s3 =	sld [smem:$0x3FDB];
	s0 =	simm.s32 @p2 $0x1  }
0x17: {  	s4 =	simm.s32 $0x1BF5;
	[smem:$0x3FBA] =	sst s0  }
0x18: {  	s0 =	sld [smem:$0x3F9D];
	_ =	swait.ge [sflag:s4], $0x0  }
0x19: {  	s7 =	sld [smem:$0x3F9E]  }
0x1a: {  	s8 =	sadd.s32 $0xFFFFE003, lr  }
0x1b: {  	s9 =	sadd.s32 $0xFFFFFEF7, lr;
	s5 =	simm.s32 $0xFFFFFFFF;
	p2 =	slt.u32 s8, $0xFFFFF086  }
0x1c: {  	p1 =	slt.u32 s9, $0xF7A;
	s5 =	simm.s32 @!p2 $0x0  }
0x1d: {  	s5 =	simm.s32 @p1 $0x1;
	p0 =	seq.s32 s7, s2  }
0x1e: {  	s7 =	smul.u32 @!p0 $0xF7A, s2;
	p2 =	seq.s32 @!p0 s5, $0x0  }
0x1f: {  	s9 =	smul.u32 $0xF7A, s1;
	s8 =	simm.s32 @!p0 $0x1BF5;
	p2 =	por !p2, p0  }
0x20: {  	[sflag:s8] =	ssyncset.s32 @!p0 $0xFFFFF086;
	s6 =	sadd.s32 @!p0 s3, s7;
	s7 =	simm.s32 @!p0 $0x108  }
0x21: {  	s3 =	sadd.s32 s3, s9;
	s6 =	sadd.s32 @!p0 $0x88, s6;
	s7 =	simm.s32 @p2 $0x1082  }
0x22: {  	[simem:s7], [sflag:s8] =	dma.local @!p0 [hbm:s6], $0xF7A  }
0x23: {  	s9 =	sor.u32 $0xD0000000, s2;
	s6 =	simm.s32 $0x108;
	_ =	swait.ge @!p0 [sflag:s8], $0x0  }
0x24: {  	s3 =	sadd.s32 $0x88, s3;
	s6 =	simm.s32 @!p1 $0x1082;
	[sflag:s4] =	ssyncset.s32 $0xFFFFF086  }
0x25: {  	[simem:s6], [sflag:s4] =	dma.local [hbm:s3], $0xF7A  }
0x26: {  	[smem:$0x3F9E] =	sst s1;
	(tag) =	ssettag s2;
	_ =	strace s9  }
0x27: {  	s1 =	sld [smem:$0x3FAE]  }
0x28: {  	s2 =	sld [smem:$0x3FAF]  }
0x29: {  	s4 =	sld [smem:$0x3FB1]  }
0x2a: {  	p0 =	seq.s32 s5, $0x0;
	s5 =	sld [smem:$0x3FB2]  }
0x2b: {  	s6 =	sld [smem:$0x3FB3]  }
0x2c: {  	s7 =	sld [smem:$0x3FB4]  }
0x2d: {  	s3 =	simm.s32 $0x108;
	s8 =	sld [smem:$0x3FB5]  }
0x2e: {  	s3 =	simm.s32 @!p0 $0x1082;
	s9 =	sld [smem:$0x3FB6]  }
0x2f: {  	lr =	sadd.s32 s0, s3;
	s0 =	sld [smem:$0x3FAD]  }
0x30: {  	s3 =	sld [smem:$0x3FB0]  }
0x31: {  	[smem:$0x3FB9] =	sst s10  }
0x32: {  	s10 =	sld [smem:$0x3FB7];
	_ =	sdelay $0x3  }
0x33: {  	p0 =	seq.s32 s10, $0x1;
	s10 =	sld [smem:$0x3FB9];
	_ =	sdelay $0x3  }
0x34: {  	[smem:$0x3FB9] =	sst s10  }
0x35: {  	s10 =	sld [smem:$0x3FB8];
	_ =	sdelay $0x3  }
0x36: {  	p1 =	seq.s32 s10, $0x1;
	s10 =	sld [smem:$0x3FB9];
	_ =	sdelay $0x3  }
0x37: {  	[smem:$0x3FB9] =	sst s10  }
0x38: {  	s10 =	sld [smem:$0x3FBA]  }
0x39: {  	_ = 	snop;
	(pc) =	sbr.ind lr, $3  }
0x3a: {  	_ = 	snop  }
0x3b: {  	_ = 	snop  }
0x3c: {  	p2 =	seq.s32 s10, $0x1;
	s10 =	sld [smem:$0x3FB9]  }
0x3d: {  	_ =	shalt  }
0x3e: {  	_ =	shalt  }
0x3f: {  	_ =	shalt  }
0x40: {  	_ =	shalt  }
0x41: {  	_ =	shalt  }
0x42: {  	_ =	shalt  }
0x43: {  	_ =	shalt  }
0x44: {  	_ =	shalt  }
0x45: {  	_ =	shalt  }
0x46: {  	_ =	shalt  }
0x47: {  	_ =	shalt  }
0x48: {  	_ =	shalt  }
0x49: {  	_ =	shalt  }
0x4a: {  	_ =	shalt  }
0x4b: {  	_ =	shalt  }
0x4c: {  	_ =	shalt  }
0x4d: {  	_ =	shalt  }
0x4e: {  	_ =	shalt  }
0x4f: {  	_ =	shalt  }
0x50: {  	_ =	shalt  }
0x51: {  	_ =	shalt  }
0x52: {  	_ =	shalt  }
0x53: {  	_ =	shalt  }
0x54: {  	_ =	shalt  }
0x55: {  	_ =	shalt  }
0x56: {  	_ =	shalt  }
0x57: {  	_ =	shalt  }
0x58: {  	_ =	shalt  }
0x59: {  	_ =	shalt  }
0x5a: {  	_ =	shalt  }
0x5b: {  	_ =	shalt  }
0x5c: {  	_ =	shalt  }
0x5d: {  	_ =	shalt  }
0x5e: {  	_ =	shalt  }
0x5f: {  	_ =	shalt  }
0x60: {  	_ =	shalt  }
0x61: {  	_ =	shalt  }
0x62: {  	_ =	shalt  }
0x63: {  	_ =	shalt  }
0x64: {  	_ =	shalt  }
0x65: {  	_ =	shalt  }
0x66: {  	_ =	shalt  }
0x67: {  	_ =	shalt  }
0x68: {  	_ =	shalt  }
0x69: {  	_ =	shalt  }
0x6a: {  	_ =	shalt  }
0x6b: {  	_ =	shalt  }
0x6c: {  	_ =	shalt  }
0x6d: {  	_ =	shalt  }
0x6e: {  	_ =	shalt  }
0x6f: {  	_ =	shalt  }
0x70: {  	_ =	shalt  }
0x71: {  	_ =	shalt  }
0x72: {  	_ =	shalt  }
0x73: {  	_ =	shalt  }
0x74: {  	_ =	shalt  }
0x75: {  	_ =	shalt  }
0x76: {  	_ =	shalt  }
0x77: {  	_ =	shalt  }
0x78: {  	_ =	shalt  }
0x79: {  	_ =	shalt  }
0x7a: {  	_ =	shalt  }
0x7b: {  	_ =	shalt  }
0x7c: {  	_ =	shalt  }
0x7d: {  	_ =	shalt  }
0x7e: {  	_ =	shalt  }
0x7f: {  	_ =	shalt  }
0x80: {  	_ =	shalt  }
0x81: {  	_ =	shalt  }
0x82: {  	_ =	shalt  }
0x83: {  	_ =	shalt  }
0x84: {  	_ =	shalt  }
0x85: {  	_ =	shalt  }
0x86: {  	_ =	shalt  }
0x87: {  	_ =	shalt  }
.Lfunc_end0:
.L_simem_size_0:
called_computation_lowered:
.L_overlay_start_0:
0x88: {  	s0 =	sld [smem:$0x3FD9]  }
0x89: {  	s1 =	sld [smem:$0x3FFE];
	_ =	sdelay $0x3  }
0x8a: {  	s0 =	sadd.s32 s1, s0  }
0x8b: {  	[smem:$0x3FC5] =	sst s0  }
0x8c: {  	_ = 	snop  }
0x8d: {  	s0 =	sld [smem:$0x3FD0]  }
0x8e: {  	s14 =	sld [smem:$0x3FC9]  }
0x8f: {  	s2 =	sld [smem:$0x3FC8]  }
0x90: {  	s4 =	simm.s32 $0xA;
	s5 =	simm.s32 $0x10;
	s3 =	sld [smem:$0x3FC7]  }
0x91: {  	[smem:s5], [sflag:s4] =	dma.local [hbm:s0], $0x1  }
0x92: {  	_ =	swait.eq [sflag:s4], $0x1  }
0x93: {  	[sflag:s4] =	ssyncset.done $0x0  }
0x94: {  	s15 =	sld [smem:$0x10];
	[sflag:s4] =	ssyncadd.s32 $0xFFFFFFFF  }
0x95: {  	s16 =	sld [smem:$0x11];
	(tm) =	ssettm $0x1  }
0x96: {  	s17 =	sld [smem:$0x3FFB];
	_ =	sdelay $0x3  }
0x97: {  	_ =	strace s17  }
0x98: {  	s5 =	sld [smem:$0x3FFC];
	_ =	sdelay $0x3  }
0x99: {  	_ =	strace s5  }
0x9a: {  	s5 =	sld [smem:$0x3FFD];
	_ =	sdelay $0x3  }
0x9b: {  	_ =	strace s5  }
0x9c: {  	_ =	strace $0x8FFFFFFF  }
0x9d: {  	s18 =	sld [smem:$0x3FDB];
	_ =	sdelay $0x1  }
0x9e: {  	s6 =	simm.s32 $_scs_section_size  }
0x9f: {  	s7 =	simm.s32 $_size__tile_overlayer_lowered;
	s8 =	simm.s32 $_tile_overlayer_lowered  }
0xa0: {  	s21 =	simm.s32 $0x1BFF;
	s20 =	sshll.u32 s8, $0x1;
	s5 =	sadd.s32 s6, s18  }
0xa1: {  	s9 =	simm.s32 $0x0;
	s19 =	sshll.u32 s7, $0x1;
	s7 =	sadd.s32 s20, s5  }
0xa2: {  	[timem:s9], [sflag:s21] =	dma.local [hbm:s7], s19  }
0xa3: {  	_ =	swait.ge [sflag:s21], s19  }
0xa4: {  	s6 =	ssub.s32 $0x0, s19;
	[sflag:s21] =	ssyncset.done $0x0  }
0xa5: {  	[sflag:s21] =	ssyncadd.s32 s6;
	_ =	sdelay $0x1  }
0xa6: {  	s22 =	simm.s32 $0x1B8B  }
0xa7: {  	_ =	swait.ge [sflag:s22], $0x1  }
0xa8: {  	[sflag:s22] =	ssyncset.done $0x0  }
0xa9: {  	s23 =	simm.s32 $0x1B8E;
	[sflag:s22] =	ssyncadd.s32 $0xFFFFFFFF  }
0xaa: {  	s24 =	simm.s32 $execute0_lowered;
	[smem:$0x3FD2] =	sst s23  }
0xab: {  	s6 =	sshll.u32 s24, $0x1;
	_ =	strace $0x80000046;
	[dreg:$0x1] =	wrdreg $0xFFFFFFFF  }
0xac: {  	s25 =	simm.s32 $_size_execute0_lowered;
	s5 =	sadd.s32 s5, s6;
	[dreg:$0x0] =	wrdreg $0x0  }
0xad: {  	s6 =	sshll.u32 s25, $0x1;
	[dreg:$0x2] =	wrdreg s5  }
0xae: {  	[dreg:$0x3] =	wrdreg s6  }
0xaf: {  	[dreg:$0x4] =	wrdreg $0xC0  }
0xb0: {  	_ =	task [dreg:s9], $0x5FFFF  }
0xb1: {  	[dreg:$0x1] =	wrdreg $0xFFFFFFFF  }
0xb2: {  	[dreg:$0x0] =	wrdreg $0x60  }
0xb3: {  	[dreg:$0x2] =	wrdreg s14  }
0xb4: {  	[dreg:$0x3] =	wrdreg s2  }
0xb5: {  	[dreg:$0x4] =	wrdreg s3  }
0xb6: {  	[dreg:$0x5] =	wrdreg s15  }
0xb7: {  	[dreg:$0x6] =	wrdreg s16  }
0xb8: {  	[dreg:$0x7] =	wrdreg $0x9  }
0xb9: {  	_ =	task.clear_ibuf [dreg:s9], $0x8FFFF;
	_ =	strace $0x90000046  }
0xba: {  	s26 =	simm.s32 $0x9;
	_ =	strace $0x80000048  }
0xbb: {  	_ =	swait.ge [sflag:s26], $0x1  }
0xbc: {  	[sflag:s26] =	ssyncadd.s32 $0xFFFFFFFF  }
0xbd: {  	_ =	strace $0x90000048  }
0xbe: {  	_ =	sfence  }
0xbf: {  	s28 =	sld [smem:$0x0];
	_ =	sdelay $0x1  }
0xc0: {  	s29 =	srdreg.scid  }
0xc1: {  	s30 =	sshll.u32 s29, $0xD;
	s31 =	sshrl.u32 s29, $0x2  }
0xc2: {  	s1 =	sand.u32 $0x1, s29;
	s2 =	sand.u32 $0x4000, s30;
	s0 =	sadd.s32 s31, s28  }
0xc3: {  	s1 =	sor.u32 s2, s1;
	s0 =	sshll.u32 s0, $0x11  }
0xc4: {  	s0 =	sor.u32 s0, s1  }
0xc5: {  	s0 =	sadd.s32 $0x8F2B, s0  }
0xc6: {  	[sflag:s0] =	ssyncadd.remote.s32 $0x1  }
0xc7: {  	_ =	sfence.sel $0xFFFF  }
0xc8: {  	[dreg:$0x0] =	wrdreg $0xFFFFFFFF;
	(pc) =	sbr.abs _section_cstart, $3  }
0xc9: {  	[dreg:$0x1] =	wrdreg $0xFFFFFFFF  }
0xca: {  	_ =	task.clear_ibuf [dreg:s9], $0x2FFFF;
	_ =	strace $0x9FFFFFFF  }
0xcb: {  	(tm) =	ssettm $0x7FFFFFFF  }
tec
execute0_lowered:
.L_overlay_start_1:
0x0: {  	(tag) =	ssettag $0x1  }
0x1: {  	s5 =	rddreg [dreg:$0x0]  }
0x2: {  	s6 =	rddreg [dreg:$0x1]  }
0x3: {  	s7 =	rddreg [dreg:$0x2]  }
0x4: {  	s4 =	rddreg [dreg:$0x3]  }
0x5: {  	s2 =	rddreg [dreg:$0x4];
	s3 =	simm.s32 $0x0;
	s1 =	stileid.u32  }
0x6: {  	[smem:$0x7FF] =	sst s3;
	s8 =	sshll.u32 s1, $0x3  }
0x7: {  	s0 =	rddreg [dreg:$0x5];
	_ =	strace $0x80000047;
	s6 =	sadd.s32 s6, s8  }
0x8: {  	[tilespmem:s3], [sflag:$0x1] =	stream.linear.gather [hbm4b:s6+s3], $0x40, $0x38;
	[tilespmem:$0x4080] =	vst v63  }
0x9: {  	s9 =	simm.s32 $0x40;
	s10 =	simm.s32 $0x1;
	s23 =	sadd.s32 s7, s8  }
0xa: {  	[tilespmem:s9], [sflag:$0x1] =	stream.linear.gather [hbm4b:s23+s3], $0x40, $0x38;
	[tilespmem:$0x4080] =	vst v63  }
0xb: {  	_ =	swait.ge [sflag:s10], $0x40  }
0xc: {  	[sflag:s10] =	ssyncset.done $0x0  }
0xd: {  	[sflag:s10] =	ssyncadd.s32 $0xFFFFFFC0  }
0xe: {  	v0 =	vld [tilespmem:$0x0]  }
0xf: {  	v1 =	vlaneseq.u32;
	s24 =	sshll.u32 s1, $0x6;
	v2 =	vld [tilespmem:$0x10]  }
0x10: {  	s11 =	smul.u32 $0x3200, s1;
	v1 =	vmul.u32 $0xC8, v1;
	s25 =	sor.u32 $0x10, s24;
	v3 =	vld [tilespmem:$0x20]  }
0x11: {  	s7 =	sor.u32 $0x20, s24;
	s12 =	smul.u32 $0xC8, s25;
	v4 =	vld [tilespmem:$0x30]  }
0x12: {  	v5 =	vadd.s32 s11, v1;
	s26 =	smul.u32 $0xC8, s7;
	s6 =	sor.u32 $0x30, s24  }
0x13: {  	s28 =	smul.u32 $0xC8, s6;
	v6 =	vadd.s32 s12, v1;
	v0 =	vadd.s32 v5, v0  }
0x14: {  	v7 =	vadd.s32 s26, v1;
	v54 =	vadd.s32 v6, v2;
	[tilespmem:$0x0] =	vst v0  }
0x15: {  	v1 =	vadd.s32 s28, v1;
	v55 =	vadd.s32 v7, v3;
	[tilespmem:$0x10] =	vst v54  }
0x16: {  	v56 =	vadd.s32 v1, v4;
	[tilespmem:$0x20] =	vst v55  }
0x17: {  	s29 =	simm.s32 $0x10;
	s30 =	simm.s32 $0x80;
	[tilespmem:$0x30] =	vst v56  }
0x18: {  	[tilespmem:s30], [sflag:$0x2] =	stream.indirect.gather [hbm4b:s5+s29], $0x80, s3, s29, $0xb8;
	[tilespmem:$0x4080] =	vst v63  }
0x19: {  	s13 =	simm.s32 $0x880  }
0x1a: {  	[tilespmem:s13], [sflag:$0x2] =	stream.indirect.gather [hbm4b:s5+s29], $0x80, s29, s29, $0xb8;
	[tilespmem:$0x4080] =	vst v63  }
0x1b: {  	s14 =	simm.s32 $0x20;
	s15 =	simm.s32 $0x1080  }
0x1c: {  	[tilespmem:s15], [sflag:$0x2] =	stream.indirect.gather [hbm4b:s5+s29], $0x80, s14, s29, $0xb8;
	[tilespmem:$0x4080] =	vst v63  }
0x1d: {  	s31 =	simm.s32 $0x30;
	s16 =	simm.s32 $0x1880  }
0x1e: {  	[tilespmem:s16], [sflag:$0x2] =	stream.indirect.gather [hbm4b:s5+s29], $0x80, s31, s29, $0xb8;
	[tilespmem:$0x4080] =	vst v63  }
0x1f: {  	_ =	swait.ge [sflag:s10], $0x40  }
0x20: {  	[sflag:s10] =	ssyncset.done $0x0  }
0x21: {  	[sflag:s10] =	ssyncadd.s32 $0xFFFFFFC0  }
0x22: {  	v57 =	vld [tilespmem:$0x40]  }
0x23: {  	v58 =	vld [tilespmem:$0x50]  }
0x24: {  	v59 =	vld [tilespmem:$0x60]  }
0x25: {  	v60 =	vld [tilespmem:$0x70];
	_ =	sdelay $0x1  }
0x26: {  	v0 =	vadd.s32 v5, v57  }
0x27: {  	v61 =	vadd.s32 v6, v58;
	[tilespmem:$0x40] =	vst v0  }
0x28: {  	v62 =	vadd.s32 v7, v59;
	[tilespmem:$0x50] =	vst v61  }
0x29: {  	v63 =	vadd.s32 v1, v60;
	[tilespmem:$0x60] =	vst v62  }
0x2a: {  	s14 =	simm.s32 $0x2080;
	[tilespmem:$0x70] =	vst v63  }
0x2b: {  	[tilespmem:s14], [sflag:$0x2] =	stream.indirect.gather [hbm4b:s5+s29], $0x80, s9, s29, $0xb8;
	[tilespmem:$0x4080] =	vst v63  }
0x2c: {  	s18 =	simm.s32 $0x50;
	s19 =	simm.s32 $0x2880  }
0x2d: {  	[tilespmem:s19], [sflag:$0x2] =	stream.indirect.gather [hbm4b:s5+s29], $0x80, s18, s29, $0xb8;
	[tilespmem:$0x4080] =	vst v63  }
0x2e: {  	s20 =	simm.s32 $0x60;
	s17 =	simm.s32 $0x3080  }
0x2f: {  	[tilespmem:s17], [sflag:$0x2] =	stream.indirect.gather [hbm4b:s5+s29], $0x80, s20, s29, $0xb8;
	[tilespmem:$0x4080] =	vst v63  }
0x30: {  	s21 =	simm.s32 $0x70;
	s22 =	simm.s32 $0x2;
	s18 =	simm.s32 $0x3880  }
0x31: {  	[tilespmem:s18], [sflag:$0x2] =	stream.indirect.gather [hbm4b:s5+s29], $0x80, s21, s29, $0xb8;
	[tilespmem:$0x4080] =	vst v63  }
0x32: {  	_ =	swait.ge [sflag:s22], $0x800  }
0x33: {  	s23 =	sshll.u32 s1, $0xA;
	[sflag:s22] =	ssyncset.done $0x0  }
0x34: {  	s24 =	sadd.s32 s4, s23;
	[sflag:s22] =	ssyncadd.s32 $0xFFFFF800  }
0x35: {  	[hbm4b:s24+s3] =	stream.linear.scatter [tilespmem:s30], [sflag:$0x3], $0x800, $0x38;
	[tilespmem:$0x4080] =	vst v63  }
0x36: {  	_ =	swait.ge [sflag:s22], $0x800  }
0x37: {  	s8 =	sshll.u32 s25, $0x4;
	[sflag:s22] =	ssyncset.done $0x0  }
0x38: {  	s25 =	sadd.s32 s4, s8;
	[sflag:s22] =	ssyncadd.s32 $0xFFFFF800  }
0x39: {  	[hbm4b:s25+s3] =	stream.linear.scatter [tilespmem:s13], [sflag:$0x3], $0x800, $0x38;
	[tilespmem:$0x4080] =	vst v63  }
0x3a: {  	_ =	swait.ge [sflag:s22], $0x800  }
0x3b: {  	s7 =	sshll.u32 s7, $0x4;
	[sflag:s22] =	ssyncset.done $0x0  }
0x3c: {  	s26 =	sadd.s32 s4, s7;
	[sflag:s22] =	ssyncadd.s32 $0xFFFFF800  }
0x3d: {  	[hbm4b:s26+s3] =	stream.linear.scatter [tilespmem:s15], [sflag:$0x3], $0x800, $0x38;
	[tilespmem:$0x4080] =	vst v63  }
0x3e: {  	_ =	swait.ge [sflag:s22], $0x800  }
0x3f: {  	s6 =	sshll.u32 s6, $0x4;
	[sflag:s22] =	ssyncset.done $0x0  }
0x40: {  	s4 =	sadd.s32 s4, s6;
	[sflag:s22] =	ssyncadd.s32 $0xFFFFF800  }
0x41: {  	[hbm4b:s4+s3] =	stream.linear.scatter [tilespmem:s16], [sflag:$0x3], $0x800, $0x38;
	[tilespmem:$0x4080] =	vst v63  }
0x42: {  	_ =	swait.ge [sflag:s22], $0x800  }
0x43: {  	[sflag:s22] =	ssyncset.done $0x0  }
0x44: {  	s28 =	sadd.s32 s2, s23;
	[sflag:s22] =	ssyncadd.s32 $0xFFFFF800  }
0x45: {  	[hbm4b:s28+s3] =	stream.linear.scatter [tilespmem:s14], [sflag:$0x3], $0x800, $0x38;
	[tilespmem:$0x4080] =	vst v63  }
0x46: {  	_ =	swait.ge [sflag:s22], $0x800  }
0x47: {  	[sflag:s22] =	ssyncset.done $0x0  }
0x48: {  	s29 =	sadd.s32 s2, s8;
	[sflag:s22] =	ssyncadd.s32 $0xFFFFF800  }
0x49: {  	[hbm4b:s29+s3] =	stream.linear.scatter [tilespmem:s19], [sflag:$0x3], $0x800, $0x38;
	[tilespmem:$0x4080] =	vst v63  }
0x4a: {  	_ =	swait.ge [sflag:s22], $0x800  }
0x4b: {  	[sflag:s22] =	ssyncset.done $0x0  }
0x4c: {  	s30 =	sadd.s32 s2, s7;
	[sflag:s22] =	ssyncadd.s32 $0xFFFFF800  }
0x4d: {  	[hbm4b:s30+s3] =	stream.linear.scatter [tilespmem:s17], [sflag:$0x3], $0x800, $0x38;
	[tilespmem:$0x4080] =	vst v63  }
0x4e: {  	_ =	swait.ge [sflag:s22], $0x800  }
0x4f: {  	[sflag:s22] =	ssyncset.done $0x0  }
0x50: {  	s31 =	simm.s32 $0x3;
	s2 =	sadd.s32 s2, s6;
	[sflag:s22] =	ssyncadd.s32 $0xFFFFF800  }
0x51: {  	[hbm4b:s2+s3] =	stream.linear.scatter [tilespmem:s18], [sflag:$0x3], $0x800, $0x38;
	[tilespmem:$0x4080] =	vst v63  }
0x52: {  	_ =	swait.ge [sflag:s31], $0x800  }
0x53: {  	[sflag:s31] =	ssyncset.done $0x0  }
0x54: {  	[sflag:s31] =	ssyncadd.s32 $0xFFFFF800  }
0x55: {  	_ =	swait.ge [sflag:s31], $0x800  }
0x56: {  	[sflag:s31] =	ssyncset.done $0x0  }
0x57: {  	[sflag:s31] =	ssyncadd.s32 $0xFFFFF800  }
0x58: {  	_ =	swait.ge [sflag:s31], $0x800  }
0x59: {  	[sflag:s31] =	ssyncset.done $0x0  }
0x5a: {  	[sflag:s31] =	ssyncadd.s32 $0xFFFFF800  }
0x5b: {  	_ =	swait.ge [sflag:s31], $0x800  }
0x5c: {  	[sflag:s31] =	ssyncset.done $0x0  }
0x5d: {  	[sflag:s31] =	ssyncadd.s32 $0xFFFFF800  }
0x5e: {  	_ =	swait.ge [sflag:s31], $0x800  }
0x5f: {  	[sflag:s31] =	ssyncset.done $0x0  }
0x60: {  	[sflag:s31] =	ssyncadd.s32 $0xFFFFF800  }
0x61: {  	_ =	swait.ge [sflag:s31], $0x800  }
0x62: {  	[sflag:s31] =	ssyncset.done $0x0  }
0x63: {  	[sflag:s31] =	ssyncadd.s32 $0xFFFFF800  }
0x64: {  	_ =	swait.ge [sflag:s31], $0x800  }
0x65: {  	[sflag:s31] =	ssyncset.done $0x0  }
0x66: {  	[sflag:s31] =	ssyncadd.s32 $0xFFFFF800  }
0x67: {  	_ =	swait.ge [sflag:s31], $0x800  }
0x68: {  	[sflag:s31] =	ssyncset.done $0x0  }
0x69: {  	[sflag:s31] =	ssyncadd.s32 $0xFFFFF800  }
0x6a: {  	_ =	sfence.sel $0x180000  }
0x6b: {  	[bflag:$0x0] =	sbarrier.arrive $0xFFFF  }
0x6c: {  	p0 =	sne.s32 s1, $0x0;
	_ =	strace $0x90000047  }
0x6d: {  	s0 =	sadd.s32 @!p0 $0x100000, s0;
	[bflag:$0x2] =	sbarrier.arrive $0xFFFF  }
0x6e: {  	[sflag:s0] =	ssyncadd.tile.s32 @!p0 $0x1;
	_ =	shalt  }
.Lfunc_end2:
_tile_overlayer_lowered:
.L_overlay_start_2:
0x6f: {  	(tag) =	ssettag $0x2  }
0x70: {  	s0 =	rddreg [dreg:$0x0];
	s2 =	stileid.u32  }
0x71: {  	s1 =	rddreg [dreg:$0x1];
	p0 =	sne.s32 s2, $0x0  }
0x72: {  	s3 =	rddreg [dreg:$0x2];
	[bflag:$0x3] =	sbarrier.arrive $0xFFFF;
	s2 =	simm.s32 @!p0 $0x1C04  }
0x73: {  	[timem:s3], [sflag:s2] =	dma.local @!p0 [hbm:s0], s1  }
0x74: {  	s0 =	simm.s32 @!p0 $0x4  }
0x75: {  	_ =	swait.ge @!p0 [sflag:s0], s1  }
0x76: {  	s1 =	ssub.s32 @!p0 $0x0, s1;
	[sflag:s0] =	ssyncset.done @!p0 $0x0  }
0x77: {  	[sflag:s0] =	ssyncadd.s32 @!p0 s1  }
0x78: {  	[bflag:$0x3] =	sbarrier.arrive $0xFFFF  }
0x79: {  	_ =	shalt  }

</sc_bundles>
